<compile_context>
chip_gen: v7x
topology: tpu7x:2x2x1
jax: 0.10.2.dev20260603
libtpu: 0.0.44.dev20260713+nightly
codegen_flags: <defaults>
</compile_context>

<pallas_src>
import functools

import jax
import jax.numpy as jnp
from jax import lax
from jax.experimental import pallas as pl
from jax.experimental.pallas import tpu as pltpu
from jax.experimental.pallas import tpu_sc as plsc

NROWS = 16384
DIM = 4096
HALF = DIM // 2
NC, NS, L = 2, 16, 16
NW = NC * NS
ROWS_PER_W = NROWS // NW
R = 4
NCHUNK = ROWS_PER_W // R
NGROUP = HALF // L
NBUF = 2

_mesh = plsc.VectorSubcoreMesh(
    core_axis_name="c", subcore_axis_name="s", num_cores=NC, num_subcores=NS
)


@functools.partial(
    pl.kernel,
    out_type=jax.ShapeDtypeStruct((NROWS, DIM), jnp.float32),
    mesh=_mesh,
    compiler_params=pltpu.CompilerParams(needs_layout_passes=False),
    scratch_types=[
        pltpu.VMEM((HALF,), jnp.int32),
        pltpu.VMEM((R, DIM), jnp.float32),
        pltpu.VMEM((R, DIM), jnp.float32),
        pltpu.VMEM((R, DIM), jnp.float32),
        pltpu.VMEM((R, DIM), jnp.float32),
        pltpu.SemaphoreType.DMA,
        pltpu.SemaphoreType.DMA,
        pltpu.SemaphoreType.DMA,
        pltpu.SemaphoreType.DMA,
    ],
)
def _permute_cols(x_hbm, perm_hbm, out_hbm, idx_v, in0, in1, o0, o1,
                  is0, is1, os0, os1):
    ins, outs = (in0, in1), (o0, o1)
    isems, osems = (is0, is1), (os0, os1)
    wid = lax.axis_index("s") * NC + lax.axis_index("c")
    base = wid * ROWS_PER_W

    def in_slice(c):
        return x_hbm.at[pl.ds(base + c * R, R)]

    def out_slice(c):
        return out_hbm.at[pl.ds(base + c * R, R)]

    pltpu.async_copy(in_slice(0), ins[0], isems[0])
    pltpu.async_copy(in_slice(1), ins[1], isems[1])
    pltpu.sync_copy(perm_hbm, idx_v)

    def pair_body(p, _):
        for b in range(NBUF):
            c = NBUF * p + b
            inb, outb = ins[b], outs[b]
            pltpu.make_async_copy(in_slice(c), inb, isems[b]).wait()

            @pl.when(p >= 1)
            def _():
                pltpu.make_async_copy(outb, out_slice(c - NBUF), osems[b]).wait()

            @plsc.parallel_loop(0, NGROUP, 1, unroll=4)
            def _(g):
                packed = idx_v[pl.ds(g * L, L)]
                lo = jnp.bitwise_and(packed, jnp.full((L,), 0xFFFF, jnp.int32))
                hi = lax.shift_right_logical(packed, jnp.full((L,), 16, jnp.int32))
                for r in range(R):
                    row = jnp.full((L,), r, jnp.int32)
                    outb[r, pl.ds(g * L, L)] = plsc.load_gather(inb, [row, lo])
                    outb[r, pl.ds(HALF + g * L, L)] = plsc.load_gather(inb, [row, hi])

            pltpu.async_copy(outb, out_slice(c), osems[b])

            @pl.when(c + NBUF < NCHUNK)
            def _():
                pltpu.async_copy(in_slice(c + NBUF), inb, isems[b])

        return ()

    lax.fori_loop(0, NCHUNK // NBUF, pair_body, ())
    for b in range(NBUF):
        c_last = NCHUNK - NBUF + b
        pltpu.make_async_copy(outs[b], out_slice(c_last), osems[b]).wait()


def kernel(x, perm, inv_perm):
    del inv_perm
    p = perm.astype(jnp.int32)
    packed = p[:HALF] | (p[HALF:] << 16)
    return _permute_cols(x, packed)

# --- scband reference (transcript-rebuilt; emitter-appended) ---
"""Pipeline reference for scband-permutation-layer-44607530336408 (READ-ONLY COPY).

The authoritative reference and input builder live on the scoring server;
editing this copy changes nothing except your own understanding.
"""

import jax, jax.numpy as jnp
import numpy as np

DIM = 4096

def setup_inputs(seed: int = 0) -> dict:
    key = jax.random.key(seed)
    kx, kp = jax.random.split(key)
    x = jax.random.normal(kx, (16384, DIM), dtype=jnp.float32)
    # fixed permutation buffer (seeded, like torch.randperm with manual_seed)
    perm = jax.random.permutation(jax.random.key(1), DIM)
    inv_perm = jnp.argsort(perm)
    return {"x": x, "perm": perm, "inv_perm": inv_perm}

def reference(x, perm, inv_perm):
    # forward with reverse=False: gather columns by perm
    return jnp.take(x, perm, axis=1)

if __name__ == "__main__":
    import jax
    _d = setup_inputs()
    print(jax.jit(kernel)(*tuple(_d.values())))

</pallas_src>

<mosaic_0001>
#map = affine_map<(d0, d1) -> (0, 0)>
#map1 = affine_map<(d0, d1) -> (0)>
module attributes {stable_mosaic.version = 14 : i64} {
  func.func @_permute_cols(%arg0: i32, %arg1: i32, %arg2: memref<16384x4096xf32, #tpu.memory_space<hbm>>, %arg3: memref<2048xi32, #tpu.memory_space<hbm>>, %arg4: memref<16384x4096xf32, #tpu.memory_space<hbm>>, %arg5: memref<2048xi32, #tpu.memory_space<vmem>>, %arg6: memref<4x4096xf32, #tpu.memory_space<vmem>>, %arg7: memref<4x4096xf32, #tpu.memory_space<vmem>>, %arg8: memref<4x4096xf32, #tpu.memory_space<vmem>>, %arg9: memref<4x4096xf32, #tpu.memory_space<vmem>>, %arg10: memref<!tpu.dma_semaphore, #tpu.memory_space<semaphore_mem>>, %arg11: memref<!tpu.dma_semaphore, #tpu.memory_space<semaphore_mem>>, %arg12: memref<!tpu.dma_semaphore, #tpu.memory_space<semaphore_mem>>, %arg13: memref<!tpu.dma_semaphore, #tpu.memory_space<semaphore_mem>>) attributes {dimension_semantics = [#tpu.dimension_semantics<core_parallel>, #tpu.dimension_semantics<subcore_parallel>], iteration_bounds = array<i64: 2, 16>, scalar_prefetch = 0 : i64, scratch_operands = 9 : i64, tpu.core_type = #tpu.core_type<sc_vector_subcore>, window_params = [{transform_indices = #map}, {transform_indices = #map1}, {transform_indices = #map}]} {
    %mul3A = arith.constant 2 : i32
    %mul3A_0 = arith.muli %arg1, %mul3A : i32
    %add3A = arith.addi %mul3A_0, %arg0 : i32
    %mul3A_1 = arith.constant 512 : i32
    %mul3A_2 = arith.muli %add3A, %mul3A_1 : i32
    %add3A_3 = arith.constant 0 : i32
    %add3A_4 = arith.addi %mul3A_2, %add3A_3 : i32
    %dma_start3A = arith.constant 0 : i32
    %dma_start3A_5 = tpu.memref_slice %arg2[%add3A_4, %dma_start3A] : memref<16384x4096xf32, #tpu.memory_space<hbm>> -> memref<4x4096xf32, #tpu.memory_space<hbm>>
    %dma_start3A_6 = arith.constant 0 : i32
    %dma_start3A_7 = tpu.memref_slice %arg2[%add3A_4, %dma_start3A_6] : memref<16384x4096xf32, #tpu.memory_space<hbm>> -> memref<4x4096xf32, #tpu.memory_space<hbm>>
    tpu.enqueue_dma source(%dma_start3A_7 : memref<4x4096xf32, #tpu.memory_space<hbm>>) target(%arg6 : memref<4x4096xf32, #tpu.memory_space<vmem>>) target_semaphore(%arg10 : memref<!tpu.dma_semaphore, #tpu.memory_space<semaphore_mem>>)
    %add3A_8 = arith.constant 4 : i32
    %add3A_9 = arith.addi %mul3A_2, %add3A_8 : i32
    %dma_start3A_10 = arith.constant 0 : i32
    %dma_start3A_11 = tpu.memref_slice %arg2[%add3A_9, %dma_start3A_10] : memref<16384x4096xf32, #tpu.memory_space<hbm>> -> memref<4x4096xf32, #tpu.memory_space<hbm>>
    %dma_start3A_12 = arith.constant 0 : i32
    %dma_start3A_13 = tpu.memref_slice %arg2[%add3A_9, %dma_start3A_12] : memref<16384x4096xf32, #tpu.memory_space<hbm>> -> memref<4x4096xf32, #tpu.memory_space<hbm>>
    tpu.enqueue_dma source(%dma_start3A_13 : memref<4x4096xf32, #tpu.memory_space<hbm>>) target(%arg7 : memref<4x4096xf32, #tpu.memory_space<vmem>>) target_semaphore(%arg11 : memref<!tpu.dma_semaphore, #tpu.memory_space<semaphore_mem>>)
    "tpu.region"() ({
      %run_scoped3A = tpu.sem_alloc : memref<!tpu.dma_semaphore, #tpu.memory_space<semaphore_mem>>
      tpu.enqueue_dma source(%arg3 : memref<2048xi32, #tpu.memory_space<hbm>>) target(%arg5 : memref<2048xi32, #tpu.memory_space<vmem>>) target_semaphore(%run_scoped3A : memref<!tpu.dma_semaphore, #tpu.memory_space<semaphore_mem>>)
      tpu.wait_dma2 semaphore(%run_scoped3A : memref<!tpu.dma_semaphore, #tpu.memory_space<semaphore_mem>>) src(%arg3 : memref<2048xi32, #tpu.memory_space<hbm>>) dst(%arg5 : memref<2048xi32, #tpu.memory_space<vmem>>)
      tpu.yield
    }) : () -> ()
    %scan3A = arith.constant 0 : i32
    %scan3A_14 = arith.constant 64 : i32
    %scan3A_15 = arith.addi %scan3A, %scan3A_14 : i32
    %scan3A_16 = arith.constant 1 : i32
    scf.for %scan3A_29 = %scan3A to %scan3A_15 step %scan3A_16  : i32 {
      %mul3A_30 = arith.constant 2 : i32
      %mul3A_31 = arith.muli %mul3A_30, %scan3A_29 : i32
      %add3A_32 = arith.constant 0 : i32
      %add3A_33 = arith.addi %mul3A_31, %add3A_32 : i32
      %mul3A_34 = arith.constant 4 : i32
      %mul3A_35 = arith.muli %add3A_33, %mul3A_34 : i32
      %add3A_36 = arith.addi %mul3A_2, %mul3A_35 : i32
      %dma_wait3A_37 = arith.constant 0 : i32
      %dma_wait3A_38 = tpu.memref_slice %arg2[%add3A_36, %dma_wait3A_37] : memref<16384x4096xf32, #tpu.memory_space<hbm>> -> memref<4x4096xf32, #tpu.memory_space<hbm>>
      %dma_wait3A_39 = arith.constant 0 : i32
      %dma_wait3A_40 = tpu.memref_slice %arg2[%add3A_36, %dma_wait3A_39] : memref<16384x4096xf32, #tpu.memory_space<hbm>> -> memref<4x4096xf32, #tpu.memory_space<hbm>>
      tpu.wait_dma2 semaphore(%arg10 : memref<!tpu.dma_semaphore, #tpu.memory_space<semaphore_mem>>) src(%dma_wait3A_40 : memref<4x4096xf32, #tpu.memory_space<hbm>>) dst(%arg6 : memref<4x4096xf32, #tpu.memory_space<vmem>>)
      %ge3A = arith.constant 1 : i32
      %ge3A_41 = arith.cmpi sge, %scan3A_29, %ge3A : i32
      %convert_element_type3A = arith.extui %ge3A_41 : i1 to i32
      %cond3A = arith.constant 0 : i32
      %cond3A_42 = arith.cmpi ne, %convert_element_type3A, %cond3A : i32
      scf.if %cond3A_42 {
        %sub3A = arith.constant 2 : i32
        %sub3A_91 = arith.subi %add3A_33, %sub3A : i32
        %mul3A_92 = arith.constant 4 : i32
        %mul3A_93 = arith.muli %sub3A_91, %mul3A_92 : i32
        %add3A_94 = arith.addi %mul3A_2, %mul3A_93 : i32
        %dma_wait3A_95 = arith.constant 0 : i32
        %dma_wait3A_96 = tpu.memref_slice %arg4[%add3A_94, %dma_wait3A_95] : memref<16384x4096xf32, #tpu.memory_space<hbm>> -> memref<4x4096xf32, #tpu.memory_space<hbm>>
        %dma_wait3A_97 = arith.constant 0 : i32
        %dma_wait3A_98 = tpu.memref_slice %arg4[%add3A_94, %dma_wait3A_97] : memref<16384x4096xf32, #tpu.memory_space<hbm>> -> memref<4x4096xf32, #tpu.memory_space<hbm>>
        tpu.wait_dma2 semaphore(%arg12 : memref<!tpu.dma_semaphore, #tpu.memory_space<semaphore_mem>>) src(%arg8 : memref<4x4096xf32, #tpu.memory_space<vmem>>) dst(%dma_wait3A_98 : memref<4x4096xf32, #tpu.memory_space<hbm>>)
      } else {
      }
      %parallel_loop3A = arith.constant 0 : i32
      %parallel_loop3A_43 = arith.constant 128 : i32
      %parallel_loop3A_44 = arith.constant 1 : i32
      scf.for %parallel_loop3A_91 = %parallel_loop3A to %parallel_loop3A_43 step %parallel_loop3A_44  : i32 {
        %parallel_loop3A_92 = arith.constant 16 : i32
        %parallel_loop3A_93 = arith.muli %parallel_loop3A_91, %parallel_loop3A_92 : i32
        %parallel_loop3A_94 = arith.index_cast %parallel_loop3A_93 : i32 to index
        %parallel_loop3A_95 = tpu.vector_load %arg5[%parallel_loop3A_94] {strides = array<i32>} : memref<2048xi32, #tpu.memory_space<vmem>>, vector<16xi32>,
        %parallel_loop3A_96 = arith.constant 65535 : i32
        %parallel_loop3A_97 = vector.broadcast %parallel_loop3A_96 : i32 to vector<16xi32>
        %parallel_loop3A_98 = arith.andi %parallel_loop3A_95, %parallel_loop3A_97 : vector<16xi32>
        %parallel_loop3A_99 = arith.constant 16 : i32
        %parallel_loop3A_100 = vector.broadcast %parallel_loop3A_99 : i32 to vector<16xi32>
        %parallel_loop3A_101 = arith.shrui %parallel_loop3A_95, %parallel_loop3A_100 : vector<16xi32>
        %parallel_loop3A_102 = arith.constant 0 : i32
        %parallel_loop3A_103 = vector.broadcast %parallel_loop3A_102 : i32 to vector<16xi32>
        %parallel_loop3A_104 = tpu.vector_load_idx %arg6[%parallel_loop3A_103, %parallel_loop3A_98] : memref<4x4096xf32, #tpu.memory_space<vmem>>[vector<16xi32>, vector<16xi32>], vector<16xf32>,
        %parallel_loop3A_105 = arith.constant 16 : i32
        %parallel_loop3A_106 = arith.muli %parallel_loop3A_91, %parallel_loop3A_105 : i32
        %parallel_loop3A_107 = arith.constant 0 : i32
        %parallel_loop3A_108 = arith.index_cast %parallel_loop3A_107 : i32 to index
        %parallel_loop3A_109 = arith.index_cast %parallel_loop3A_106 : i32 to index
        %parallel_loop3A_110 = tpu.vector_load %arg8[%parallel_loop3A_108, %parallel_loop3A_109] {strides = array<i32>} : memref<4x4096xf32, #tpu.memory_space<vmem>>, vector<16xf32>,
        tpu.vector_store %arg8[%parallel_loop3A_108, %parallel_loop3A_109], %parallel_loop3A_104 {strides = array<i32>} : memref<4x4096xf32, #tpu.memory_space<vmem>>, vector<16xf32>,
        %parallel_loop3A_111 = tpu.vector_load_idx %arg6[%parallel_loop3A_103, %parallel_loop3A_101] : memref<4x4096xf32, #tpu.memory_space<vmem>>[vector<16xi32>, vector<16xi32>], vector<16xf32>,
        %parallel_loop3A_112 = arith.constant 16 : i32
        %parallel_loop3A_113 = arith.muli %parallel_loop3A_91, %parallel_loop3A_112 : i32
        %parallel_loop3A_114 = arith.constant 2048 : i32
        %parallel_loop3A_115 = arith.addi %parallel_loop3A_114, %parallel_loop3A_113 : i32
        %parallel_loop3A_116 = arith.constant 0 : i32
        %parallel_loop3A_117 = arith.index_cast %parallel_loop3A_116 : i32 to index
        %parallel_loop3A_118 = arith.index_cast %parallel_loop3A_115 : i32 to index
        %parallel_loop3A_119 = tpu.vector_load %arg8[%parallel_loop3A_117, %parallel_loop3A_118] {strides = array<i32>} : memref<4x4096xf32, #tpu.memory_space<vmem>>, vector<16xf32>,
        tpu.vector_store %arg8[%parallel_loop3A_117, %parallel_loop3A_118], %parallel_loop3A_111 {strides = array<i32>} : memref<4x4096xf32, #tpu.memory_space<vmem>>, vector<16xf32>,
        %parallel_loop3A_120 = arith.constant 1 : i32
        %parallel_loop3A_121 = vector.broadcast %parallel_loop3A_120 : i32 to vector<16xi32>
        %parallel_loop3A_122 = tpu.vector_load_idx %arg6[%parallel_loop3A_121, %parallel_loop3A_98] : memref<4x4096xf32, #tpu.memory_space<vmem>>[vector<16xi32>, vector<16xi32>], vector<16xf32>,
        %parallel_loop3A_123 = arith.constant 16 : i32
        %parallel_loop3A_124 = arith.muli %parallel_loop3A_91, %parallel_loop3A_123 : i32
        %parallel_loop3A_125 = arith.constant 1 : i32
        %parallel_loop3A_126 = arith.index_cast %parallel_loop3A_125 : i32 to index
        %parallel_loop3A_127 = arith.index_cast %parallel_loop3A_124 : i32 to index
        %parallel_loop3A_128 = tpu.vector_load %arg8[%parallel_loop3A_126, %parallel_loop3A_127] {strides = array<i32>} : memref<4x4096xf32, #tpu.memory_space<vmem>>, vector<16xf32>,
        tpu.vector_store %arg8[%parallel_loop3A_126, %parallel_loop3A_127], %parallel_loop3A_122 {strides = array<i32>} : memref<4x4096xf32, #tpu.memory_space<vmem>>, vector<16xf32>,
        %parallel_loop3A_129 = tpu.vector_load_idx %arg6[%parallel_loop3A_121, %parallel_loop3A_101] : memref<4x4096xf32, #tpu.memory_space<vmem>>[vector<16xi32>, vector<16xi32>], vector<16xf32>,
        %parallel_loop3A_130 = arith.constant 16 : i32
        %parallel_loop3A_131 = arith.muli %parallel_loop3A_91, %parallel_loop3A_130 : i32
        %parallel_loop3A_132 = arith.constant 2048 : i32
        %parallel_loop3A_133 = arith.addi %parallel_loop3A_132, %parallel_loop3A_131 : i32
        %parallel_loop3A_134 = arith.constant 1 : i32
        %parallel_loop3A_135 = arith.index_cast %parallel_loop3A_134 : i32 to index
        %parallel_loop3A_136 = arith.index_cast %parallel_loop3A_133 : i32 to index
        %parallel_loop3A_137 = tpu.vector_load %arg8[%parallel_loop3A_135, %parallel_loop3A_136] {strides = array<i32>} : memref<4x4096xf32, #tpu.memory_space<vmem>>, vector<16xf32>,
        tpu.vector_store %arg8[%parallel_loop3A_135, %parallel_loop3A_136], %parallel_loop3A_129 {strides = array<i32>} : memref<4x4096xf32, #tpu.memory_space<vmem>>, vector<16xf32>,
        %parallel_loop3A_138 = arith.constant 2 : i32
        %parallel_loop3A_139 = vector.broadcast %parallel_loop3A_138 : i32 to vector<16xi32>
        %parallel_loop3A_140 = tpu.vector_load_idx %arg6[%parallel_loop3A_139, %parallel_loop3A_98] : memref<4x4096xf32, #tpu.memory_space<vmem>>[vector<16xi32>, vector<16xi32>], vector<16xf32>,
        %parallel_loop3A_141 = arith.constant 16 : i32
        %parallel_loop3A_142 = arith.muli %parallel_loop3A_91, %parallel_loop3A_141 : i32
        %parallel_loop3A_143 = arith.constant 2 : i32
        %parallel_loop3A_144 = arith.index_cast %parallel_loop3A_143 : i32 to index
        %parallel_loop3A_145 = arith.index_cast %parallel_loop3A_142 : i32 to index
        %parallel_loop3A_146 = tpu.vector_load %arg8[%parallel_loop3A_144, %parallel_loop3A_145] {strides = array<i32>} : memref<4x4096xf32, #tpu.memory_space<vmem>>, vector<16xf32>,
        tpu.vector_store %arg8[%parallel_loop3A_144, %parallel_loop3A_145], %parallel_loop3A_140 {strides = array<i32>} : memref<4x4096xf32, #tpu.memory_space<vmem>>, vector<16xf32>,
        %parallel_loop3A_147 = tpu.vector_load_idx %arg6[%parallel_loop3A_139, %parallel_loop3A_101] : memref<4x4096xf32, #tpu.memory_space<vmem>>[vector<16xi32>, vector<16xi32>], vector<16xf32>,
        %parallel_loop3A_148 = arith.constant 16 : i32
        %parallel_loop3A_149 = arith.muli %parallel_loop3A_91, %parallel_loop3A_148 : i32
        %parallel_loop3A_150 = arith.constant 2048 : i32
        %parallel_loop3A_151 = arith.addi %parallel_loop3A_150, %parallel_loop3A_149 : i32
        %parallel_loop3A_152 = arith.constant 2 : i32
        %parallel_loop3A_153 = arith.index_cast %parallel_loop3A_152 : i32 to index
        %parallel_loop3A_154 = arith.index_cast %parallel_loop3A_151 : i32 to index
        %parallel_loop3A_155 = tpu.vector_load %arg8[%parallel_loop3A_153, %parallel_loop3A_154] {strides = array<i32>} : memref<4x4096xf32, #tpu.memory_space<vmem>>, vector<16xf32>,
        tpu.vector_store %arg8[%parallel_loop3A_153, %parallel_loop3A_154], %parallel_loop3A_147 {strides = array<i32>} : memref<4x4096xf32, #tpu.memory_space<vmem>>, vector<16xf32>,
        %parallel_loop3A_156 = arith.constant 3 : i32
        %parallel_loop3A_157 = vector.broadcast %parallel_loop3A_156 : i32 to vector<16xi32>
        %parallel_loop3A_158 = tpu.vector_load_idx %arg6[%parallel_loop3A_157, %parallel_loop3A_98] : memref<4x4096xf32, #tpu.memory_space<vmem>>[vector<16xi32>, vector<16xi32>], vector<16xf32>,
        %parallel_loop3A_159 = arith.constant 16 : i32
        %parallel_loop3A_160 = arith.muli %parallel_loop3A_91, %parallel_loop3A_159 : i32
        %parallel_loop3A_161 = arith.constant 3 : i32
        %parallel_loop3A_162 = arith.index_cast %parallel_loop3A_161 : i32 to index
        %parallel_loop3A_163 = arith.index_cast %parallel_loop3A_160 : i32 to index
        %parallel_loop3A_164 = tpu.vector_load %arg8[%parallel_loop3A_162, %parallel_loop3A_163] {strides = array<i32>} : memref<4x4096xf32, #tpu.memory_space<vmem>>, vector<16xf32>,
        tpu.vector_store %arg8[%parallel_loop3A_162, %parallel_loop3A_163], %parallel_loop3A_158 {strides = array<i32>} : memref<4x4096xf32, #tpu.memory_space<vmem>>, vector<16xf32>,
        %parallel_loop3A_165 = tpu.vector_load_idx %arg6[%parallel_loop3A_157, %parallel_loop3A_101] : memref<4x4096xf32, #tpu.memory_space<vmem>>[vector<16xi32>, vector<16xi32>], vector<16xf32>,
        %parallel_loop3A_166 = arith.constant 16 : i32
        %parallel_loop3A_167 = arith.muli %parallel_loop3A_91, %parallel_loop3A_166 : i32
        %parallel_loop3A_168 = arith.constant 2048 : i32
        %parallel_loop3A_169 = arith.addi %parallel_loop3A_168, %parallel_loop3A_167 : i32
        %parallel_loop3A_170 = arith.constant 3 : i32
        %parallel_loop3A_171 = arith.index_cast %parallel_loop3A_170 : i32 to index
        %parallel_loop3A_172 = arith.index_cast %parallel_loop3A_169 : i32 to index
        %parallel_loop3A_173 = tpu.vector_load %arg8[%parallel_loop3A_171, %parallel_loop3A_172] {strides = array<i32>} : memref<4x4096xf32, #tpu.memory_space<vmem>>, vector<16xf32>,
        tpu.vector_store %arg8[%parallel_loop3A_171, %parallel_loop3A_172], %parallel_loop3A_165 {strides = array<i32>} : memref<4x4096xf32, #tpu.memory_space<vmem>>, vector<16xf32>,
      } {sc.loop_unroll_factor = 4 : i64, sc.parallel_access}
      %mul3A_45 = arith.constant 4 : i32
      %mul3A_46 = arith.muli %add3A_33, %mul3A_45 : i32
      %add3A_47 = arith.addi %mul3A_2, %mul3A_46 : i32
      %dma_start3A_48 = arith.constant 0 : i32
      %dma_start3A_49 = tpu.memref_slice %arg4[%add3A_47, %dma_start3A_48] : memref<16384x4096xf32, #tpu.memory_space<hbm>> -> memref<4x4096xf32, #tpu.memory_space<hbm>>
      %dma_start3A_50 = arith.constant 0 : i32
      %dma_start3A_51 = tpu.memref_slice %arg4[%add3A_47, %dma_start3A_50] : memref<16384x4096xf32, #tpu.memory_space<hbm>> -> memref<4x4096xf32, #tpu.memory_space<hbm>>
      tpu.enqueue_dma source(%arg8 : memref<4x4096xf32, #tpu.memory_space<vmem>>) target(%dma_start3A_51 : memref<4x4096xf32, #tpu.memory_space<hbm>>) target_semaphore(%arg12 : memref<!tpu.dma_semaphore, #tpu.memory_space<semaphore_mem>>)
      %add3A_52 = arith.constant 2 : i32
      %add3A_53 = arith.addi %add3A_33, %add3A_52 : i32
      %lt3A = arith.constant 128 : i32
      %lt3A_54 = arith.cmpi slt, %add3A_53, %lt3A : i32
      %convert_element_type3A_55 = arith.extui %lt3A_54 : i1 to i32
      %cond3A_56 = arith.constant 0 : i32
      %cond3A_57 = arith.cmpi ne, %convert_element_type3A_55, %cond3A_56 : i32
      scf.if %cond3A_57 {
        %add3A_91 = arith.constant 2 : i32
        %add3A_92 = arith.addi %add3A_33, %add3A_91 : i32
        %mul3A_93 = arith.constant 4 : i32
        %mul3A_94 = arith.muli %add3A_92, %mul3A_93 : i32
        %add3A_95 = arith.addi %mul3A_2, %mul3A_94 : i32
        %dma_start3A_96 = arith.constant 0 : i32
        %dma_start3A_97 = tpu.memref_slice %arg2[%add3A_95, %dma_start3A_96] : memref<16384x4096xf32, #tpu.memory_space<hbm>> -> memref<4x4096xf32, #tpu.memory_space<hbm>>
        %dma_start3A_98 = arith.constant 0 : i32
        %dma_start3A_99 = tpu.memref_slice %arg2[%add3A_95, %dma_start3A_98] : memref<16384x4096xf32, #tpu.memory_space<hbm>> -> memref<4x4096xf32, #tpu.memory_space<hbm>>
        tpu.enqueue_dma source(%dma_start3A_99 : memref<4x4096xf32, #tpu.memory_space<hbm>>) target(%arg6 : memref<4x4096xf32, #tpu.memory_space<vmem>>) target_semaphore(%arg10 : memref<!tpu.dma_semaphore, #tpu.memory_space<semaphore_mem>>)
      } else {
      }
      %mul3A_58 = arith.constant 2 : i32
      %mul3A_59 = arith.muli %mul3A_58, %scan3A_29 : i32
      %add3A_60 = arith.constant 1 : i32
      %add3A_61 = arith.addi %mul3A_59, %add3A_60 : i32
      %mul3A_62 = arith.constant 4 : i32
      %mul3A_63 = arith.muli %add3A_61, %mul3A_62 : i32
      %add3A_64 = arith.addi %mul3A_2, %mul3A_63 : i32
      %dma_wait3A_65 = arith.constant 0 : i32
      %dma_wait3A_66 = tpu.memref_slice %arg2[%add3A_64, %dma_wait3A_65] : memref<16384x4096xf32, #tpu.memory_space<hbm>> -> memref<4x4096xf32, #tpu.memory_space<hbm>>
      %dma_wait3A_67 = arith.constant 0 : i32
      %dma_wait3A_68 = tpu.memref_slice %arg2[%add3A_64, %dma_wait3A_67] : memref<16384x4096xf32, #tpu.memory_space<hbm>> -> memref<4x4096xf32, #tpu.memory_space<hbm>>
      tpu.wait_dma2 semaphore(%arg11 : memref<!tpu.dma_semaphore, #tpu.memory_space<semaphore_mem>>) src(%dma_wait3A_68 : memref<4x4096xf32, #tpu.memory_space<hbm>>) dst(%arg7 : memref<4x4096xf32, #tpu.memory_space<vmem>>)
      %ge3A_69 = arith.constant 1 : i32
      %ge3A_70 = arith.cmpi sge, %scan3A_29, %ge3A_69 : i32
      %convert_element_type3A_71 = arith.extui %ge3A_70 : i1 to i32
      %cond3A_72 = arith.constant 0 : i32
      %cond3A_73 = arith.cmpi ne, %convert_element_type3A_71, %cond3A_72 : i32
      scf.if %cond3A_73 {
        %sub3A = arith.constant 2 : i32
        %sub3A_91 = arith.subi %add3A_61, %sub3A : i32
        %mul3A_92 = arith.constant 4 : i32
        %mul3A_93 = arith.muli %sub3A_91, %mul3A_92 : i32
        %add3A_94 = arith.addi %mul3A_2, %mul3A_93 : i32
        %dma_wait3A_95 = arith.constant 0 : i32
        %dma_wait3A_96 = tpu.memref_slice %arg4[%add3A_94, %dma_wait3A_95] : memref<16384x4096xf32, #tpu.memory_space<hbm>> -> memref<4x4096xf32, #tpu.memory_space<hbm>>
        %dma_wait3A_97 = arith.constant 0 : i32
        %dma_wait3A_98 = tpu.memref_slice %arg4[%add3A_94, %dma_wait3A_97] : memref<16384x4096xf32, #tpu.memory_space<hbm>> -> memref<4x4096xf32, #tpu.memory_space<hbm>>
        tpu.wait_dma2 semaphore(%arg13 : memref<!tpu.dma_semaphore, #tpu.memory_space<semaphore_mem>>) src(%arg9 : memref<4x4096xf32, #tpu.memory_space<vmem>>) dst(%dma_wait3A_98 : memref<4x4096xf32, #tpu.memory_space<hbm>>)
      } else {
      }
      %parallel_loop3A_74 = arith.constant 0 : i32
      %parallel_loop3A_75 = arith.constant 128 : i32
      %parallel_loop3A_76 = arith.constant 1 : i32
      scf.for %parallel_loop3A_91 = %parallel_loop3A_74 to %parallel_loop3A_75 step %parallel_loop3A_76  : i32 {
        %parallel_loop3A_92 = arith.constant 16 : i32
        %parallel_loop3A_93 = arith.muli %parallel_loop3A_91, %parallel_loop3A_92 : i32
        %parallel_loop3A_94 = arith.index_cast %parallel_loop3A_93 : i32 to index
        %parallel_loop3A_95 = tpu.vector_load %arg5[%parallel_loop3A_94] {strides = array<i32>} : memref<2048xi32, #tpu.memory_space<vmem>>, vector<16xi32>,
        %parallel_loop3A_96 = arith.constant 65535 : i32
        %parallel_loop3A_97 = vector.broadcast %parallel_loop3A_96 : i32 to vector<16xi32>
        %parallel_loop3A_98 = arith.andi %parallel_loop3A_95, %parallel_loop3A_97 : vector<16xi32>
        %parallel_loop3A_99 = arith.constant 16 : i32
        %parallel_loop3A_100 = vector.broadcast %parallel_loop3A_99 : i32 to vector<16xi32>
        %parallel_loop3A_101 = arith.shrui %parallel_loop3A_95, %parallel_loop3A_100 : vector<16xi32>
        %parallel_loop3A_102 = arith.constant 0 : i32
        %parallel_loop3A_103 = vector.broadcast %parallel_loop3A_102 : i32 to vector<16xi32>
        %parallel_loop3A_104 = tpu.vector_load_idx %arg7[%parallel_loop3A_103, %parallel_loop3A_98] : memref<4x4096xf32, #tpu.memory_space<vmem>>[vector<16xi32>, vector<16xi32>], vector<16xf32>,
        %parallel_loop3A_105 = arith.constant 16 : i32
        %parallel_loop3A_106 = arith.muli %parallel_loop3A_91, %parallel_loop3A_105 : i32
        %parallel_loop3A_107 = arith.constant 0 : i32
        %parallel_loop3A_108 = arith.index_cast %parallel_loop3A_107 : i32 to index
        %parallel_loop3A_109 = arith.index_cast %parallel_loop3A_106 : i32 to index
        %parallel_loop3A_110 = tpu.vector_load %arg9[%parallel_loop3A_108, %parallel_loop3A_109] {strides = array<i32>} : memref<4x4096xf32, #tpu.memory_space<vmem>>, vector<16xf32>,
        tpu.vector_store %arg9[%parallel_loop3A_108, %parallel_loop3A_109], %parallel_loop3A_104 {strides = array<i32>} : memref<4x4096xf32, #tpu.memory_space<vmem>>, vector<16xf32>,
        %parallel_loop3A_111 = tpu.vector_load_idx %arg7[%parallel_loop3A_103, %parallel_loop3A_101] : memref<4x4096xf32, #tpu.memory_space<vmem>>[vector<16xi32>, vector<16xi32>], vector<16xf32>,
        %parallel_loop3A_112 = arith.constant 16 : i32
        %parallel_loop3A_113 = arith.muli %parallel_loop3A_91, %parallel_loop3A_112 : i32
        %parallel_loop3A_114 = arith.constant 2048 : i32
        %parallel_loop3A_115 = arith.addi %parallel_loop3A_114, %parallel_loop3A_113 : i32
        %parallel_loop3A_116 = arith.constant 0 : i32
        %parallel_loop3A_117 = arith.index_cast %parallel_loop3A_116 : i32 to index
        %parallel_loop3A_118 = arith.index_cast %parallel_loop3A_115 : i32 to index
        %parallel_loop3A_119 = tpu.vector_load %arg9[%parallel_loop3A_117, %parallel_loop3A_118] {strides = array<i32>} : memref<4x4096xf32, #tpu.memory_space<vmem>>, vector<16xf32>,
        tpu.vector_store %arg9[%parallel_loop3A_117, %parallel_loop3A_118], %parallel_loop3A_111 {strides = array<i32>} : memref<4x4096xf32, #tpu.memory_space<vmem>>, vector<16xf32>,
        %parallel_loop3A_120 = arith.constant 1 : i32
        %parallel_loop3A_121 = vector.broadcast %parallel_loop3A_120 : i32 to vector<16xi32>
        %parallel_loop3A_122 = tpu.vector_load_idx %arg7[%parallel_loop3A_121, %parallel_loop3A_98] : memref<4x4096xf32, #tpu.memory_space<vmem>>[vector<16xi32>, vector<16xi32>], vector<16xf32>,
        %parallel_loop3A_123 = arith.constant 16 : i32
        %parallel_loop3A_124 = arith.muli %parallel_loop3A_91, %parallel_loop3A_123 : i32
        %parallel_loop3A_125 = arith.constant 1 : i32
        %parallel_loop3A_126 = arith.index_cast %parallel_loop3A_125 : i32 to index
        %parallel_loop3A_127 = arith.index_cast %parallel_loop3A_124 : i32 to index
        %parallel_loop3A_128 = tpu.vector_load %arg9[%parallel_loop3A_126, %parallel_loop3A_127] {strides = array<i32>} : memref<4x4096xf32, #tpu.memory_space<vmem>>, vector<16xf32>,
        tpu.vector_store %arg9[%parallel_loop3A_126, %parallel_loop3A_127], %parallel_loop3A_122 {strides = array<i32>} : memref<4x4096xf32, #tpu.memory_space<vmem>>, vector<16xf32>,
        %parallel_loop3A_129 = tpu.vector_load_idx %arg7[%parallel_loop3A_121, %parallel_loop3A_101] : memref<4x4096xf32, #tpu.memory_space<vmem>>[vector<16xi32>, vector<16xi32>], vector<16xf32>,
        %parallel_loop3A_130 = arith.constant 16 : i32
        %parallel_loop3A_131 = arith.muli %parallel_loop3A_91, %parallel_loop3A_130 : i32
        %parallel_loop3A_132 = arith.constant 2048 : i32
        %parallel_loop3A_133 = arith.addi %parallel_loop3A_132, %parallel_loop3A_131 : i32
        %parallel_loop3A_134 = arith.constant 1 : i32
        %parallel_loop3A_135 = arith.index_cast %parallel_loop3A_134 : i32 to index
        %parallel_loop3A_136 = arith.index_cast %parallel_loop3A_133 : i32 to index
        %parallel_loop3A_137 = tpu.vector_load %arg9[%parallel_loop3A_135, %parallel_loop3A_136] {strides = array<i32>} : memref<4x4096xf32, #tpu.memory_space<vmem>>, vector<16xf32>,
        tpu.vector_store %arg9[%parallel_loop3A_135, %parallel_loop3A_136], %parallel_loop3A_129 {strides = array<i32>} : memref<4x4096xf32, #tpu.memory_space<vmem>>, vector<16xf32>,
        %parallel_loop3A_138 = arith.constant 2 : i32
        %parallel_loop3A_139 = vector.broadcast %parallel_loop3A_138 : i32 to vector<16xi32>
        %parallel_loop3A_140 = tpu.vector_load_idx %arg7[%parallel_loop3A_139, %parallel_loop3A_98] : memref<4x4096xf32, #tpu.memory_space<vmem>>[vector<16xi32>, vector<16xi32>], vector<16xf32>,
        %parallel_loop3A_141 = arith.constant 16 : i32
        %parallel_loop3A_142 = arith.muli %parallel_loop3A_91, %parallel_loop3A_141 : i32
        %parallel_loop3A_143 = arith.constant 2 : i32
        %parallel_loop3A_144 = arith.index_cast %parallel_loop3A_143 : i32 to index
        %parallel_loop3A_145 = arith.index_cast %parallel_loop3A_142 : i32 to index
        %parallel_loop3A_146 = tpu.vector_load %arg9[%parallel_loop3A_144, %parallel_loop3A_145] {strides = array<i32>} : memref<4x4096xf32, #tpu.memory_space<vmem>>, vector<16xf32>,
        tpu.vector_store %arg9[%parallel_loop3A_144, %parallel_loop3A_145], %parallel_loop3A_140 {strides = array<i32>} : memref<4x4096xf32, #tpu.memory_space<vmem>>, vector<16xf32>,
        %parallel_loop3A_147 = tpu.vector_load_idx %arg7[%parallel_loop3A_139, %parallel_loop3A_101] : memref<4x4096xf32, #tpu.memory_space<vmem>>[vector<16xi32>, vector<16xi32>], vector<16xf32>,
        %parallel_loop3A_148 = arith.constant 16 : i32
        %parallel_loop3A_149 = arith.muli %parallel_loop3A_91, %parallel_loop3A_148 : i32
        %parallel_loop3A_150 = arith.constant 2048 : i32
        %parallel_loop3A_151 = arith.addi %parallel_loop3A_150, %parallel_loop3A_149 : i32
        %parallel_loop3A_152 = arith.constant 2 : i32
        %parallel_loop3A_153 = arith.index_cast %parallel_loop3A_152 : i32 to index
        %parallel_loop3A_154 = arith.index_cast %parallel_loop3A_151 : i32 to index
        %parallel_loop3A_155 = tpu.vector_load %arg9[%parallel_loop3A_153, %parallel_loop3A_154] {strides = array<i32>} : memref<4x4096xf32, #tpu.memory_space<vmem>>, vector<16xf32>,
        tpu.vector_store %arg9[%parallel_loop3A_153, %parallel_loop3A_154], %parallel_loop3A_147 {strides = array<i32>} : memref<4x4096xf32, #tpu.memory_space<vmem>>, vector<16xf32>,
        %parallel_loop3A_156 = arith.constant 3 : i32
        %parallel_loop3A_157 = vector.broadcast %parallel_loop3A_156 : i32 to vector<16xi32>
        %parallel_loop3A_158 = tpu.vector_load_idx %arg7[%parallel_loop3A_157, %parallel_loop3A_98] : memref<4x4096xf32, #tpu.memory_space<vmem>>[vector<16xi32>, vector<16xi32>], vector<16xf32>,
        %parallel_loop3A_159 = arith.constant 16 : i32
        %parallel_loop3A_160 = arith.muli %parallel_loop3A_91, %parallel_loop3A_159 : i32
        %parallel_loop3A_161 = arith.constant 3 : i32
        %parallel_loop3A_162 = arith.index_cast %parallel_loop3A_161 : i32 to index
        %parallel_loop3A_163 = arith.index_cast %parallel_loop3A_160 : i32 to index
        %parallel_loop3A_164 = tpu.vector_load %arg9[%parallel_loop3A_162, %parallel_loop3A_163] {strides = array<i32>} : memref<4x4096xf32, #tpu.memory_space<vmem>>, vector<16xf32>,
        tpu.vector_store %arg9[%parallel_loop3A_162, %parallel_loop3A_163], %parallel_loop3A_158 {strides = array<i32>} : memref<4x4096xf32, #tpu.memory_space<vmem>>, vector<16xf32>,
        %parallel_loop3A_165 = tpu.vector_load_idx %arg7[%parallel_loop3A_157, %parallel_loop3A_101] : memref<4x4096xf32, #tpu.memory_space<vmem>>[vector<16xi32>, vector<16xi32>], vector<16xf32>,
        %parallel_loop3A_166 = arith.constant 16 : i32
        %parallel_loop3A_167 = arith.muli %parallel_loop3A_91, %parallel_loop3A_166 : i32
        %parallel_loop3A_168 = arith.constant 2048 : i32
        %parallel_loop3A_169 = arith.addi %parallel_loop3A_168, %parallel_loop3A_167 : i32
        %parallel_loop3A_170 = arith.constant 3 : i32
        %parallel_loop3A_171 = arith.index_cast %parallel_loop3A_170 : i32 to index
        %parallel_loop3A_172 = arith.index_cast %parallel_loop3A_169 : i32 to index
        %parallel_loop3A_173 = tpu.vector_load %arg9[%parallel_loop3A_171, %parallel_loop3A_172] {strides = array<i32>} : memref<4x4096xf32, #tpu.memory_space<vmem>>, vector<16xf32>,
        tpu.vector_store %arg9[%parallel_loop3A_171, %parallel_loop3A_172], %parallel_loop3A_165 {strides = array<i32>} : memref<4x4096xf32, #tpu.memory_space<vmem>>, vector<16xf32>,
      } {sc.loop_unroll_factor = 4 : i64, sc.parallel_access}
      %mul3A_77 = arith.constant 4 : i32
      %mul3A_78 = arith.muli %add3A_61, %mul3A_77 : i32
      %add3A_79 = arith.addi %mul3A_2, %mul3A_78 : i32
      %dma_start3A_80 = arith.constant 0 : i32
      %dma_start3A_81 = tpu.memref_slice %arg4[%add3A_79, %dma_start3A_80] : memref<16384x4096xf32, #tpu.memory_space<hbm>> -> memref<4x4096xf32, #tpu.memory_space<hbm>>
      %dma_start3A_82 = arith.constant 0 : i32
      %dma_start3A_83 = tpu.memref_slice %arg4[%add3A_79, %dma_start3A_82] : memref<16384x4096xf32, #tpu.memory_space<hbm>> -> memref<4x4096xf32, #tpu.memory_space<hbm>>
      tpu.enqueue_dma source(%arg9 : memref<4x4096xf32, #tpu.memory_space<vmem>>) target(%dma_start3A_83 : memref<4x4096xf32, #tpu.memory_space<hbm>>) target_semaphore(%arg13 : memref<!tpu.dma_semaphore, #tpu.memory_space<semaphore_mem>>)
      %add3A_84 = arith.constant 2 : i32
      %add3A_85 = arith.addi %add3A_61, %add3A_84 : i32
      %lt3A_86 = arith.constant 128 : i32
      %lt3A_87 = arith.cmpi slt, %add3A_85, %lt3A_86 : i32
      %convert_element_type3A_88 = arith.extui %lt3A_87 : i1 to i32
      %cond3A_89 = arith.constant 0 : i32
      %cond3A_90 = arith.cmpi ne, %convert_element_type3A_88, %cond3A_89 : i32
      scf.if %cond3A_90 {
        %add3A_91 = arith.constant 2 : i32
        %add3A_92 = arith.addi %add3A_61, %add3A_91 : i32
        %mul3A_93 = arith.constant 4 : i32
        %mul3A_94 = arith.muli %add3A_92, %mul3A_93 : i32
        %add3A_95 = arith.addi %mul3A_2, %mul3A_94 : i32
        %dma_start3A_96 = arith.constant 0 : i32
        %dma_start3A_97 = tpu.memref_slice %arg2[%add3A_95, %dma_start3A_96] : memref<16384x4096xf32, #tpu.memory_space<hbm>> -> memref<4x4096xf32, #tpu.memory_space<hbm>>
        %dma_start3A_98 = arith.constant 0 : i32
        %dma_start3A_99 = tpu.memref_slice %arg2[%add3A_95, %dma_start3A_98] : memref<16384x4096xf32, #tpu.memory_space<hbm>> -> memref<4x4096xf32, #tpu.memory_space<hbm>>
        tpu.enqueue_dma source(%dma_start3A_99 : memref<4x4096xf32, #tpu.memory_space<hbm>>) target(%arg7 : memref<4x4096xf32, #tpu.memory_space<vmem>>) target_semaphore(%arg11 : memref<!tpu.dma_semaphore, #tpu.memory_space<semaphore_mem>>)
      } else {
      }
    }
    %scan3A_17 = arith.constant 64 : i32
    %add3A_18 = arith.constant 504 : i32
    %add3A_19 = arith.addi %mul3A_2, %add3A_18 : i32
    %dma_wait3A = arith.constant 0 : i32
    %dma_wait3A_20 = tpu.memref_slice %arg4[%add3A_19, %dma_wait3A] : memref<16384x4096xf32, #tpu.memory_space<hbm>> -> memref<4x4096xf32, #tpu.memory_space<hbm>>
    %dma_wait3A_21 = arith.constant 0 : i32
    %dma_wait3A_22 = tpu.memref_slice %arg4[%add3A_19, %dma_wait3A_21] : memref<16384x4096xf32, #tpu.memory_space<hbm>> -> memref<4x4096xf32, #tpu.memory_space<hbm>>
    tpu.wait_dma2 semaphore(%arg12 : memref<!tpu.dma_semaphore, #tpu.memory_space<semaphore_mem>>) src(%arg8 : memref<4x4096xf32, #tpu.memory_space<vmem>>) dst(%dma_wait3A_22 : memref<4x4096xf32, #tpu.memory_space<hbm>>)
    %add3A_23 = arith.constant 508 : i32
    %add3A_24 = arith.addi %mul3A_2, %add3A_23 : i32
    %dma_wait3A_25 = arith.constant 0 : i32
    %dma_wait3A_26 = tpu.memref_slice %arg4[%add3A_24, %dma_wait3A_25] : memref<16384x4096xf32, #tpu.memory_space<hbm>> -> memref<4x4096xf32, #tpu.memory_space<hbm>>
    %dma_wait3A_27 = arith.constant 0 : i32
    %dma_wait3A_28 = tpu.memref_slice %arg4[%add3A_24, %dma_wait3A_27] : memref<16384x4096xf32, #tpu.memory_space<hbm>> -> memref<4x4096xf32, #tpu.memory_space<hbm>>
    tpu.wait_dma2 semaphore(%arg13 : memref<!tpu.dma_semaphore, #tpu.memory_space<semaphore_mem>>) src(%arg9 : memref<4x4096xf32, #tpu.memory_space<vmem>>) dst(%dma_wait3A_28 : memref<4x4096xf32, #tpu.memory_space<hbm>>)
    return
  }
}

</mosaic_0001>

<sc_bundles>
// kernel: kernel.3.cloned.1.call-start
scs
__scs_entry_jumppad:
0x0: {  	(pc) =	sbr.rel $0x88, $3  }
0x1: {  	(tag) =	ssettag $0x0;
	lr =	simm.s32 $0x1  }
0x2: {  	[smem:$0x3F9F] =	sst lr;
	_ =	strace $0xD0000000  }
0x3: {  	_ = 	snop  }
0x4: {  	_ = 	snop  }
0x5: {  	_ = 	snop  }
0x6: {  	_ = 	snop  }
0x7: {  	_ = 	snop  }
__scs_overlays_trampoline_lowered:
0x8: {  	[smem:$0x3FAE] =	sst s0  }
0x9: {  	[smem:$0x3FAF] =	sst s1  }
0xa: {  	[smem:$0x3FB0] =	sst s2  }
0xb: {  	[smem:$0x3FB1] =	sst s3  }
0xc: {  	[smem:$0x3FB2] =	sst s4  }
0xd: {  	[smem:$0x3FB3] =	sst s5  }
0xe: {  	[smem:$0x3FB4] =	sst s6  }
0xf: {  	[smem:$0x3FB5] =	sst s7  }
0x10: {  	[smem:$0x3FB6] =	sst s8  }
0x11: {  	[smem:$0x3FB7] =	sst s9;
	s0 =	simm.s32 @!p0 $0x0  }
0x12: {  	s1 =	sld [smem:$0x3F9D];
	s0 =	simm.s32 @p0 $0x1  }
0x13: {  	[smem:$0x3FB8] =	sst s0;
	s0 =	simm.s32 @!p1 $0x0  }
0x14: {  	s2 =	sld [smem:$0x3F9C];
	s0 =	simm.s32 @p1 $0x1  }
0x15: {  	[smem:$0x3FB9] =	sst s0;
	s0 =	simm.s32 @!p2 $0x0  }
0x16: {  	s3 =	sld [smem:$0x3FDB];
	s0 =	simm.s32 @p2 $0x1  }
0x17: {  	s4 =	simm.s32 $0x1BF5;
	[smem:$0x3FBB] =	sst s0  }
0x18: {  	s0 =	sld [smem:$0x3F9E];
	_ =	swait.ge [sflag:s4], $0x0  }
0x19: {  	s7 =	sld [smem:$0x3F9F]  }
0x1a: {  	s8 =	sadd.s32 $0xFFFFE003, lr  }
0x1b: {  	s9 =	sadd.s32 $0xFFFFFEF7, lr;
	s5 =	simm.s32 $0xFFFFFFFF;
	p2 =	slt.u32 s8, $0xFFFFF086  }
0x1c: {  	p1 =	slt.u32 s9, $0xF7A;
	s5 =	simm.s32 @!p2 $0x0  }
0x1d: {  	s5 =	simm.s32 @p1 $0x1;
	p0 =	seq.s32 s7, s2  }
0x1e: {  	s7 =	smul.u32 @!p0 $0xF7A, s2;
	p2 =	seq.s32 @!p0 s5, $0x0  }
0x1f: {  	s9 =	smul.u32 $0xF7A, s1;
	s8 =	simm.s32 @!p0 $0x1BF5;
	p2 =	por !p2, p0  }
0x20: {  	[sflag:s8] =	ssyncset.s32 @!p0 $0xFFFFF086;
	s6 =	sadd.s32 @!p0 s3, s7;
	s7 =	simm.s32 @!p0 $0x108  }
0x21: {  	s3 =	sadd.s32 s3, s9;
	s6 =	sadd.s32 @!p0 $0x88, s6;
	s7 =	simm.s32 @p2 $0x1082  }
0x22: {  	[simem:s7], [sflag:s8] =	dma.local @!p0 [hbm:s6], $0xF7A  }
0x23: {  	s9 =	sor.u32 $0xD0000000, s2;
	s6 =	simm.s32 $0x108;
	_ =	swait.ge @!p0 [sflag:s8], $0x0  }
0x24: {  	s3 =	sadd.s32 $0x88, s3;
	s6 =	simm.s32 @!p1 $0x1082;
	[sflag:s4] =	ssyncset.s32 $0xFFFFF086  }
0x25: {  	[simem:s6], [sflag:s4] =	dma.local [hbm:s3], $0xF7A  }
0x26: {  	[smem:$0x3F9F] =	sst s1;
	(tag) =	ssettag s2;
	_ =	strace s9  }
0x27: {  	s1 =	sld [smem:$0x3FAF]  }
0x28: {  	s2 =	sld [smem:$0x3FB0]  }
0x29: {  	s4 =	sld [smem:$0x3FB2]  }
0x2a: {  	p0 =	seq.s32 s5, $0x0;
	s5 =	sld [smem:$0x3FB3]  }
0x2b: {  	s6 =	sld [smem:$0x3FB4]  }
0x2c: {  	s7 =	sld [smem:$0x3FB5]  }
0x2d: {  	s3 =	simm.s32 $0x108;
	s8 =	sld [smem:$0x3FB6]  }
0x2e: {  	s3 =	simm.s32 @!p0 $0x1082;
	s9 =	sld [smem:$0x3FB7]  }
0x2f: {  	lr =	sadd.s32 s0, s3;
	s0 =	sld [smem:$0x3FAE]  }
0x30: {  	s3 =	sld [smem:$0x3FB1]  }
0x31: {  	[smem:$0x3FBA] =	sst s10  }
0x32: {  	s10 =	sld [smem:$0x3FB8];
	_ =	sdelay $0x3  }
0x33: {  	p0 =	seq.s32 s10, $0x1;
	s10 =	sld [smem:$0x3FBA];
	_ =	sdelay $0x3  }
0x34: {  	[smem:$0x3FBA] =	sst s10  }
0x35: {  	s10 =	sld [smem:$0x3FB9];
	_ =	sdelay $0x3  }
0x36: {  	p1 =	seq.s32 s10, $0x1;
	s10 =	sld [smem:$0x3FBA];
	_ =	sdelay $0x3  }
0x37: {  	[smem:$0x3FBA] =	sst s10  }
0x38: {  	s10 =	sld [smem:$0x3FBB]  }
0x39: {  	_ = 	snop;
	(pc) =	sbr.ind lr, $3  }
0x3a: {  	_ = 	snop  }
0x3b: {  	_ = 	snop  }
0x3c: {  	p2 =	seq.s32 s10, $0x1;
	s10 =	sld [smem:$0x3FBA]  }
0x3d: {  	_ =	shalt  }
0x3e: {  	_ =	shalt  }
0x3f: {  	_ =	shalt  }
0x40: {  	_ =	shalt  }
0x41: {  	_ =	shalt  }
0x42: {  	_ =	shalt  }
0x43: {  	_ =	shalt  }
0x44: {  	_ =	shalt  }
0x45: {  	_ =	shalt  }
0x46: {  	_ =	shalt  }
0x47: {  	_ =	shalt  }
0x48: {  	_ =	shalt  }
0x49: {  	_ =	shalt  }
0x4a: {  	_ =	shalt  }
0x4b: {  	_ =	shalt  }
0x4c: {  	_ =	shalt  }
0x4d: {  	_ =	shalt  }
0x4e: {  	_ =	shalt  }
0x4f: {  	_ =	shalt  }
0x50: {  	_ =	shalt  }
0x51: {  	_ =	shalt  }
0x52: {  	_ =	shalt  }
0x53: {  	_ =	shalt  }
0x54: {  	_ =	shalt  }
0x55: {  	_ =	shalt  }
0x56: {  	_ =	shalt  }
0x57: {  	_ =	shalt  }
0x58: {  	_ =	shalt  }
0x59: {  	_ =	shalt  }
0x5a: {  	_ =	shalt  }
0x5b: {  	_ =	shalt  }
0x5c: {  	_ =	shalt  }
0x5d: {  	_ =	shalt  }
0x5e: {  	_ =	shalt  }
0x5f: {  	_ =	shalt  }
0x60: {  	_ =	shalt  }
0x61: {  	_ =	shalt  }
0x62: {  	_ =	shalt  }
0x63: {  	_ =	shalt  }
0x64: {  	_ =	shalt  }
0x65: {  	_ =	shalt  }
0x66: {  	_ =	shalt  }
0x67: {  	_ =	shalt  }
0x68: {  	_ =	shalt  }
0x69: {  	_ =	shalt  }
0x6a: {  	_ =	shalt  }
0x6b: {  	_ =	shalt  }
0x6c: {  	_ =	shalt  }
0x6d: {  	_ =	shalt  }
0x6e: {  	_ =	shalt  }
0x6f: {  	_ =	shalt  }
0x70: {  	_ =	shalt  }
0x71: {  	_ =	shalt  }
0x72: {  	_ =	shalt  }
0x73: {  	_ =	shalt  }
0x74: {  	_ =	shalt  }
0x75: {  	_ =	shalt  }
0x76: {  	_ =	shalt  }
0x77: {  	_ =	shalt  }
0x78: {  	_ =	shalt  }
0x79: {  	_ =	shalt  }
0x7a: {  	_ =	shalt  }
0x7b: {  	_ =	shalt  }
0x7c: {  	_ =	shalt  }
0x7d: {  	_ =	shalt  }
0x7e: {  	_ =	shalt  }
0x7f: {  	_ =	shalt  }
0x80: {  	_ =	shalt  }
0x81: {  	_ =	shalt  }
0x82: {  	_ =	shalt  }
0x83: {  	_ =	shalt  }
0x84: {  	_ =	shalt  }
0x85: {  	_ =	shalt  }
0x86: {  	_ =	shalt  }
0x87: {  	_ =	shalt  }
.Lfunc_end0:
.L_simem_size_0:
called_computation_lowered:
.L_overlay_start_0:
0x88: {  	s2 =	sld [smem:$0x3FD9]  }
0x89: {  	s3 =	sld [smem:$0x3FFE];
	_ =	sdelay $0x1  }
0x8a: {  	s1 =	srdreg.scid  }
0x8b: {  	s0 =	sand.u32 $0x1, s1  }
0x8c: {  	s17 =	sshll.u32 s0, $0xA;
	s2 =	sadd.s32 s3, s2  }
0x8d: {  	s2 =	sadd.s32 s2, s17  }
0x8e: {  	[smem:$0x3FC6] =	sst s2  }
0x8f: {  	_ = 	snop  }
0x90: {  	s2 =	sld [smem:$0x3FC9]  }
0x91: {  	s18 =	sld [smem:$0x3FD0];
	(tm) =	ssettm $0x1  }
0x92: {  	s4 =	sld [smem:$0x3FFB];
	_ =	sdelay $0x3  }
0x93: {  	_ =	strace s4  }
0x94: {  	s4 =	sld [smem:$0x3FFC];
	_ =	sdelay $0x3  }
0x95: {  	_ =	strace s4  }
0x96: {  	s4 =	sld [smem:$0x3FFD];
	_ =	sdelay $0x3  }
0x97: {  	_ =	strace s4  }
0x98: {  	_ =	strace $0x8FFFFFFF  }
0x99: {  	s19 =	sld [smem:$0x3FDB];
	_ =	sdelay $0x1  }
0x9a: {  	s5 =	simm.s32 $_scs_section_size  }
0x9b: {  	s6 =	simm.s32 $_size__tile_overlayer_lowered;
	s7 =	simm.s32 $_tile_overlayer_lowered  }
0x9c: {  	s22 =	simm.s32 $0x1BFF;
	s21 =	sshll.u32 s7, $0x1;
	s4 =	sadd.s32 s5, s19  }
0x9d: {  	s8 =	simm.s32 $0x0;
	s20 =	sshll.u32 s6, $0x1;
	s6 =	sadd.s32 s21, s4  }
0x9e: {  	[timem:s8], [sflag:s22] =	dma.local [hbm:s6], s20  }
0x9f: {  	_ =	swait.ge [sflag:s22], s20  }
0xa0: {  	s5 =	ssub.s32 $0x0, s20;
	[sflag:s22] =	ssyncset.done $0x0  }
0xa1: {  	[sflag:s22] =	ssyncadd.s32 s5;
	_ =	sdelay $0x1  }
0xa2: {  	s23 =	simm.s32 $0x1B8B  }
0xa3: {  	_ =	swait.ge [sflag:s23], $0x1  }
0xa4: {  	[sflag:s23] =	ssyncset.done $0x0  }
0xa5: {  	s25 =	simm.s32 $0x1B8E;
	s24 =	sld [smem:$0x3FFE];
	[sflag:s23] =	ssyncadd.s32 $0xFFFFFFFF  }
0xa6: {  	s26 =	simm.s32 $execute0_lowered;
	[smem:$0x3FD2] =	sst s25  }
0xa7: {  	s6 =	sshll.u32 s26, $0x1;
	_ =	strace $0x80000046;
	[dreg:$0x1] =	wrdreg $0xFFFFFFFF  }
0xa8: {  	s28 =	simm.s32 $_size_execute0_lowered;
	s4 =	sadd.s32 s4, s6;
	[dreg:$0x0] =	wrdreg $0x0  }
0xa9: {  	s6 =	sshll.u32 s28, $0x1;
	[dreg:$0x2] =	wrdreg s4  }
0xaa: {  	[dreg:$0x3] =	wrdreg s6  }
0xab: {  	[dreg:$0x4] =	wrdreg $0xC0  }
0xac: {  	_ =	task [dreg:s8], $0x5FFFF  }
0xad: {  	[dreg:$0x1] =	wrdreg $0xFFFFFFFF  }
0xae: {  	[dreg:$0x0] =	wrdreg $0x60  }
0xaf: {  	[dreg:$0x2] =	wrdreg s2  }
0xb0: {  	[dreg:$0x3] =	wrdreg s24  }
0xb1: {  	[dreg:$0x4] =	wrdreg s18  }
0xb2: {  	[dreg:$0x5] =	wrdreg $0x9  }
0xb3: {  	_ =	task.clear_ibuf [dreg:s8], $0x6FFFF;
	_ =	strace $0x90000046  }
0xb4: {  	s29 =	simm.s32 $0x9;
	_ =	strace $0x80000048  }
0xb5: {  	_ =	swait.ge [sflag:s29], $0x1  }
0xb6: {  	[sflag:s29] =	ssyncadd.s32 $0xFFFFFFFF  }
0xb7: {  	_ =	strace $0x90000048  }
0xb8: {  	_ =	sfence  }
0xb9: {  	s30 =	sld [smem:$0x0];
	_ =	sdelay $0x2  }
0xba: {  	s31 =	sshll.u32 s1, $0xD;
	s1 =	sshrl.u32 s1, $0x2  }
0xbb: {  	s3 =	sand.u32 $0x4000, s31;
	s1 =	sadd.s32 s1, s30  }
0xbc: {  	s0 =	sor.u32 s3, s0;
	s1 =	sshll.u32 s1, $0x11  }
0xbd: {  	s0 =	sor.u32 s1, s0  }
0xbe: {  	s0 =	sadd.s32 $0x8F2B, s0  }
0xbf: {  	[sflag:s0] =	ssyncadd.remote.s32 $0x1  }
0xc0: {  	_ =	sfence.sel $0xFFFF  }
0xc1: {  	[dreg:$0x0] =	wrdreg $0xFFFFFFFF;
	(pc) =	sbr.abs _section_cstart, $3  }
0xc2: {  	[dreg:$0x1] =	wrdreg $0xFFFFFFFF  }
0xc3: {  	_ =	task.clear_ibuf [dreg:s8], $0x2FFFF;
	_ =	strace $0x9FFFFFFF  }
0xc4: {  	(tm) =	ssettm $0x7FFFFFFF  }
0xc5: {  	_ =	shalt  }
tec
execute0_lowered:
.L_overlay_start_1:
0x0: {  	(tag) =	ssettag $0x1  }
0x1: {  	s0 =	rddreg [dreg:$0x0]  }
0x2: {  	s1 =	rddreg [dreg:$0x1]  }
0x3: {  	s5 =	rddreg [dreg:$0x2]  }
0x4: {  	s2 =	srdreg.scid;
	s3 =	stileid.u32;
	s6 =	simm.s32 $0x0  }
0x5: {  	s2 =	sand.u32 $0x1, s2;
	s3 =	sshll.u32 s3, $0xA;
	[smem:$0x7FF] =	sst s6  }
0x6: {  	s1 =	sadd.s32 $0x400, s1;
	s30 =	sadd.s32 $0x40, s5;
	s4 =	sshll.u32 s2, $0x9  }
0x7: {  	_ =	strace $0x80000047;
	[dreg:$0xe] =	wrdreg s1;
	s3 =	sor.u32 s4, s3  }
0x8: {  	s2 =	ssub.s32 $0x2, s2;
	[dreg:$0x13] =	wrdreg s30;
	s24 =	sshll.u32 s3, $0x9  }
0x9: {  	s23 =	sshrl.u32 s2, $0x1;
	s28 =	sshrl.u32 s3, $0x3;
	[dreg:$0xd] =	wrdreg s24  }
0xa: {  	s25 =	ssub.s32 s2, s23;
	s0 =	sadd.s32 s0, s24;
	[dreg:$0x11] =	wrdreg s28  }
.Ltmp0:
0xb: {  	s31 =	smax.u32 s25, $0x1;
	[dreg:$0xf] =	wrdreg s0;
	(pc) =	sbr.rel .LBB2_1-.Ltmp0, $4  }
0xc: {  	s16 =	simm.s32 $0x4800;
	s26 =	sadd.s32 $0x40, s0;
	[dreg:$0x15] =	wrdreg s31  }
0xd: {  	s1 =	simm.s32 $0x400;
	s29 =	sadd.s32 $0x1000, s0;
	[dreg:$0x10] =	wrdreg s26  }
0xe: {  	s4 =	simm.s32 $0x200;
	s0 =	sadd.s32 $0x1040, s0;
	[dreg:$0x12] =	wrdreg s29  }
0xf: {  	s3 =	simm.s32 $0x0;
	s25 =	simm.s32 $0x800;
	[dreg:$0x14] =	wrdreg s0  }
.LBB2_12:
0x10: {  	s0 =	simm.s32 $0x3  }
0x11: {  	_ =	swait.ge [sflag:s0], $0x4000  }
0x12: {  	[sflag:s0] =	ssyncset.done $0x0  }
0x13: {  	s2 =	simm.s32 $0x4;
	[sflag:s0] =	ssyncadd.s32 $0xFFFFC000  }
0x14: {  	_ =	swait.ge [sflag:s2], $0x4000  }
0x15: {  	s3 =	rddreg [dreg:$0x16]  }
0x16: {  	s31 =	rddreg [dreg:$0x15];
	s3 =	sadd.s32 $0x1, s3  }
0x17: {  	p0 =	sne.s32 s3, s31  }
.Ltmp1:
0x18: {  	_ = 	snop;
	(pc) =	sbr.rel @!p0 .LBB2_13-.Ltmp1, $3  }
0x19: {  	_ =	sdelay $0x1  }
0x1a: {  	[sflag:s2] =	ssyncset.done $0x0  }
0x1b: {  	s25 =	simm.s32 $0x800;
	[sflag:s2] =	ssyncadd.s32 $0xFFFFC000  }
.LBB2_1:
0x1c: {  	[dreg:$0x16] =	wrdreg s3  }
0x1d: {  	s0 =	rddreg [dreg:$0xf]  }
0x1e: {  	[tilespmem:s25], [sflag:$0x1] =	stream.strided.gather [hbm4b:s0+s4], $0x4000, s1, s4, $0x38;
	[tilespmem:$0x10800] =	vst v63  }
0x1f: {  	s28 =	rddreg [dreg:$0x10]  }
0x20: {  	[tilespmem:s16], [sflag:$0x2] =	stream.strided.gather [hbm4b:s28+s4], $0x4000, s1, s4, $0x38;
	[tilespmem:$0x10800] =	vst v63  }
0x21: {  	s29 =	simm.s32 $0x0;
	s30 =	rddreg [dreg:$0xe];
	s31 =	simm.s32 $0x5  }
0x22: {  	[tilespmem:s29], [sflag:$0x5] =	stream.linear.gather [hbm4b:s30+s29], $0x800, $0x38;
	[tilespmem:$0x10800] =	vst v63  }
0x23: {  	_ =	swait.ge [sflag:s31], $0x800  }
0x24: {  	[sflag:s31] =	ssyncset.done $0x0  }
0x25: {  	s15 =	simm.s32 $0x0;
	[sflag:s31] =	ssyncadd.s32 $0xFFFFF800  }
.LBB2_2:
0x26: {  	s0 =	simm.s32 $0x1  }
0x27: {  	_ =	swait.ge [sflag:s0], $0x4000  }
0x28: {  	p0 =	seq.s32 s15, $0x0;
	[sflag:s0] =	ssyncset.done $0x0  }
0x29: {  	[sflag:s0] =	ssyncadd.s32 $0xFFFFC000;
	s0 =	simm.s32 @!p0 $0x3  }
0x2a: {  	_ =	swait.ge @!p0 [sflag:s0], $0x4000  }
0x2b: {  	[sflag:s0] =	ssyncset.done @!p0 $0x0  }
0x2c: {  	s14 =	simm.s32 $0x0;
	[sflag:s0] =	ssyncadd.s32 @!p0 $0xFFFFC000  }
0x2d: {  	v0 =	vld [tilespmem:s14+$0x30];
	_ =	sdelay $0x2  }
0x2e: {  	v1 =	vld [tilespmem:s14+$0x0]  }
0x2f: {  	v2 =	vld [tilespmem:s14+$0x10]  }
0x30: {  	v3 =	vshll.u32 v0, $0x2  }
0x31: {  	v4 =	vand.u32 $0x7F, v0;
	v3 =	vand.u32 $0x3FE00, v3  }
0x32: {  	v6 =	vor.u32 v4, v3;
	v3 =	vld [tilespmem:s14+$0x20]  }
0x33: {  	v4 =	vshll.u32 v1, $0x2  }
0x34: {  	v5 =	vshll.u32 v2, $0x2;
	v7 =	vand.u32 $0x7F, v1;
	v4 =	vand.u32 $0x3FE00, v4  }
0x35: {  	v8 =	vand.u32 $0x7F, v2;
	v5 =	vand.u32 $0x3FE00, v5;
	v11 =	vor.u32 v7, v4  }
0x36: {  	v4 =	vshrl.u32 v0, $0x10;
	v7 =	vshrl.u32 v0, $0xE;
	v0 =	vor.u32 v8, v5  }
0x37: {  	v4 =	vand.u32 $0x7F, v4;
	v7 =	vand.u32 $0x3FE00, v7;
	v5 =	vld.idx.msk [tilespmem:v6+s25+$0x0], $0xffff;
	v8 =	vshll.u32 v3, $0x2  }
0x38: {  	s3 =	simm.s32 $0x0;
	v14 =	vor.u32 v4, v7;
	v7 =	vand.u32 $0x7F, v3;
	v4 =	vand.u32 $0x3FE00, v8  }
0x39: {  	s16 =	simm.s32 $0x30;
	s1 =	sand.u32 $0x1E00, s3;
	v12 =	vor.u32 v7, v4  }
0x3a: {  	s2 =	sadd.s32 $0x8800, s1;
	s0 =	sand.u32 $0x70, s16;
	v8 =	vshrl.u32 v1, $0x10;
	v4 =	vshrl.u32 v2, $0x10;
	v2 =	vshrl.u32 v2, $0xE  }
0x3b: {  	s4 =	sor.u32 s0, s2;
	v1 =	vshrl.u32 v1, $0xE;
	v9 =	vld.idx.msk [tilespmem:v0+s25+$0x0], $0xffff;
	v4 =	vand.u32 $0x7F, v4;
	v2 =	vand.u32 $0x3FE00, v2  }
0x3c: {  	v7 =	vld.idx.msk [tilespmem:v11+s25+$0x0], $0xffff;
	v8 =	vand.u32 $0x7F, v8;
	v1 =	vand.u32 $0x3FE00, v1;
	v2 =	vor.u32 v4, v2;
	[tilespmem:s4+$0x0] =	vst v5  }
0x3d: {  	s17 =	simm.s32 $0x0;
	s6 =	simm.s32 $0x10;
	v1 =	vor.u32 v8, v1;
	v5 =	vshrl.u32 v3, $0x10;
	v3 =	vshrl.u32 v3, $0xE;
	v4 =	vld.idx.msk [tilespmem:v14+s25+$0x0], $0xffff  }
0x3e: {  	s5 =	simm.s32 $0x830;
	s19 =	simm.s32 $0x20C0;
	s18 =	sand.u32 $0x50, s6;
	v8 =	vor.u32 $0x80, v6;
	v5 =	vand.u32 $0x7F, v5;
	v3 =	vand.u32 $0x3FE00, v3;
	v10 =	vld.idx.msk [tilespmem:v12+s25+$0x0], $0xffff  }
0x3f: {  	s22 =	simm.s32 $0x20;
	s7 =	sand.u32 $0x40, s17;
	s9 =	sor.u32 s18, s2;
	v13 =	vor.u32 v5, v3  }
0x40: {  	s20 =	sand.u32 $0x70, s5;
	s21 =	sand.u32 $0x3E00, s19;
	s8 =	sor.u32 s7, s2;
	[tilespmem:s9+$0x0] =	vst v9  }
0x41: {  	s23 =	sand.u32 $0x60, s22;
	s0 =	sor.u32 s20, s21;
	[tilespmem:s8+$0x0] =	vst v7;
	v7 =	vld.idx.msk [tilespmem:v2+s25+$0x0], $0xffff  }
0x42: {  	s10 =	sor.u32 s23, s2;
	v3 =	vld.idx.msk [tilespmem:v1+s25+$0x0], $0xffff;
	[tilespmem:s0+$0x8800] =	vst v4;
	v4 =	vor.u32 $0x80, v0  }
0x43: {  	s24 =	simm.s32 $0x2040;
	s26 =	simm.s32 $0x810;
	s13 =	simm.s32 $0x40;
	v5 =	vor.u32 $0x80, v11;
	v8 =	vld.idx.msk [tilespmem:v8+s25+$0x0], $0xffff;
	[tilespmem:s10+$0x0] =	vst v10  }
0x44: {  	s6 =	sor.u32 s7, s1;
	s7 =	sand.u32 $0x50, s26;
	s2 =	sand.u32 $0x3E00, s24;
	v9 =	vor.u32 $0x80, v14;
	v10 =	vld.idx.msk [tilespmem:v13+s25+$0x0], $0xffff  }
0x45: {  	v17 =	vld [tilespmem:s13+$0x10];
	s2 =	sor.u32 s7, s2  }
0x46: {  	s11 =	simm.s32 $0x2080;
	s12 =	simm.s32 $0x820;
	v18 =	vld [tilespmem:s13+$0x20];
	v15 =	vor.u32 $0x80, v12;
	[tilespmem:s2+$0x8800] =	vst v7  }
0x47: {  	s5 =	sand.u32 $0x60, s12;
	s1 =	sand.u32 $0x3E00, s11;
	[tilespmem:s6+$0xA800] =	vst v3;
	v4 =	vld.idx.msk [tilespmem:v4+s25+$0x0], $0xffff  }
0x48: {  	s1 =	sor.u32 s5, s1;
	v16 =	vor.u32 $0x80, v2;
	v3 =	vld.idx.msk [tilespmem:v5+s25+$0x0], $0xffff;
	[tilespmem:s4+$0x80] =	vst v8  }
0x49: {  	v5 =	vld.idx.msk [tilespmem:v9+s25+$0x0], $0xffff;
	[tilespmem:s1+$0x8800] =	vst v10;
	v10 =	vor.u32 $0x80, v1  }
0x4a: {  	v7 =	vor.u32 $0x100, v6;
	v8 =	vld [tilespmem:s13+$0x30]  }
0x4b: {  	v9 =	vld.idx.msk [tilespmem:v15+s25+$0x0], $0xffff  }
0x4c: {  	v15 =	vld [tilespmem:s13+$0x0];
	[tilespmem:s9+$0x80] =	vst v4  }
0x4d: {  	[tilespmem:s8+$0x80] =	vst v3;
	v16 =	vld.idx.msk [tilespmem:v16+s25+$0x0], $0xffff  }
0x4e: {  	[tilespmem:s0+$0x8880] =	vst v5;
	v5 =	vor.u32 $0x80, v13;
	v10 =	vld.idx.msk [tilespmem:v10+s25+$0x0], $0xffff  }
0x4f: {  	v19 =	vor.u32 $0x100, v11;
	v22 =	vor.u32 $0x100, v0;
	v20 =	vld.idx.msk [tilespmem:v7+s25+$0x0], $0xffff;
	v7 =	vshll.u32 v8, $0x2  }
0x50: {  	s14 =	sand.u32 $0x7, s3;
	v21 =	vor.u32 $0x100, v14;
	v3 =	vand.u32 $0x7F, v8;
	v7 =	vand.u32 $0x3FE00, v7  }
0x51: {  	s4 =	sshll.u32 s14, $0x4;
	v4 =	vshll.u32 v17, $0x2;
	v7 =	vor.u32 v3, v7;
	v3 =	vshll.u32 v15, $0x2  }
0x52: {  	s4 =	sadd.s32 $0x0, s4;
	[tilespmem:s10+$0x80] =	vst v9;
	v9 =	vand.u32 $0x3FE00, v4;
	v4 =	vand.u32 $0x7F, v15;
	v3 =	vand.u32 $0x3FE00, v3  }
0x53: {  	v26 =	vand.u32 $0x7F, v17;
	s16 =	sadd.s32 $0x30, s4;
	[tilespmem:s2+$0x8880] =	vst v16;
	v25 =	vld.idx.msk [tilespmem:v5+s25+$0x0], $0xffff;
	v5 =	vshll.u32 v18, $0x2;
	v4 =	vor.u32 v4, v3  }
0x54: {  	s19 =	sor.u32 $0x100, s16;
	[tilespmem:s6+$0xA880] =	vst v10;
	v22 =	vld.idx.msk [tilespmem:v22+s25+$0x0], $0xffff;
	v3 =	vand.u32 $0x3FE00, v5;
	v5 =	vor.u32 v26, v9  }
0x55: {  	p1 =	por $0x0, $0x0;
	s20 =	simm.s32 $0x100;
	v23 =	vor.u32 $0x100, v12;
	v24 =	vor.u32 $0x100, v1;
	s8 =	simm.s32 $0x1;
	[tilespmem:s19+$0x8800] =	vst v20;
	v9 =	vand.u32 $0x7F, v18;
	v16 =	vld.idx.msk [tilespmem:v19+s25+$0x0], $0xffff  }
0x56: {  	s21 =	simm.s32 $0x70;
	s13 =	sand.u32 $0x1E00, s20;
	s8 =	simm.s32 @!p1 $0x0;
	v19 =	vor.u32 $0x180, v6;
	v20 =	vld.idx.msk [tilespmem:v21+s25+$0x0], $0xffff;
	v3 =	vor.u32 v9, v3;
	v9 =	vshrl.u32 v8, $0x10  }
0x57: {  	s7 =	sand.u32 $0x70, s21;
	s11 =	sadd.s32 $0x8800, s13;
	s8 =	sshll.u32 s8, $0x6;
	v8 =	vshrl.u32 v8, $0xE;
	v21 =	vshrl.u32 v15, $0x10;
	v15 =	vshrl.u32 v15, $0xE;
	v10 =	vld.idx.msk [tilespmem:v7+s25+$0x0], $0xffff  }
0x58: {  	s12 =	simm.s32 $0x50;
	s9 =	sor.u32 s7, s11;
	s7 =	sadd.s32 $0x0, s8;
	v9 =	vand.u32 $0x7F, v9;
	v8 =	vand.u32 $0x3FE00, v8;
	v21 =	vand.u32 $0x7F, v21;
	v26 =	vld.idx.msk [tilespmem:v4+s25+$0x0], $0xffff  }
0x59: {  	s12 =	sand.u32 $0x50, s12;
	s23 =	sor.u32 $0x100, s7;
	v15 =	vand.u32 $0x3FE00, v15;
	v6 =	vor.u32 v9, v8;
	v8 =	vshrl.u32 v17, $0x10;
	[tilespmem:s1+$0x8880] =	vst v25;
	v27 =	vld.idx.msk [tilespmem:v5+s25+$0x0], $0xffff  }
0x5a: {  	s10 =	sor.u32 s12, s11;
	s12 =	sadd.s32 $0x10, s4;
	v9 =	vshrl.u32 v17, $0xE;
	v28 =	vand.u32 $0x7F, v8;
	v8 =	vor.u32 v21, v15;
	[tilespmem:s23+$0x8800] =	vst v16;
	v16 =	vld.idx.msk [tilespmem:v23+s25+$0x0], $0xffff  }
0x5b: {  	s22 =	simm.s32 $0x40;
	s3 =	sand.u32 $0x3, s3;
	v9 =	vand.u32 $0x3FE00, v9;
	v21 =	vor.u32 $0x100, v2;
	s23 =	sor.u32 $0x100, s12;
	v15 =	vld.idx.msk [tilespmem:v3+s25+$0x0], $0xffff;
	[tilespmem:s0+$0x8900] =	vst v20  }
0x5c: {  	s17 =	sand.u32 $0x40, s22;
	s3 =	sshll.u32 s3, $0x5;
	s14 =	simm.s32 $0x60;
	v17 =	vshrl.u32 v18, $0x10;
	v18 =	vshrl.u32 v18, $0xE;
	v9 =	vor.u32 v28, v9;
	v20 =	vld.idx.msk [tilespmem:v24+s25+$0x0], $0xffff;
	[tilespmem:s23+$0x8800] =	vst v22  }
0x5d: {  	s3 =	sadd.s32 $0x0, s3;
	s14 =	sand.u32 $0x60, s14;
	s8 =	sor.u32 s17, s11;
	v17 =	vand.u32 $0x7F, v17;
	v18 =	vand.u32 $0x3FE00, v18;
	v24 =	vor.u32 $0x100, v13;
	[tilespmem:s9+$0x0] =	vst v10;
	v19 =	vld.idx.msk [tilespmem:v19+s25+$0x0], $0xffff  }
0x5e: {  	s11 =	sor.u32 s14, s11;
	s14 =	sadd.s32 $0x20, s3;
	v10 =	vor.u32 v17, v18;
	v17 =	vld.idx.msk [tilespmem:v6+s25+$0x0], $0xffff;
	[tilespmem:s8+$0x0] =	vst v26  }
0x5f: {  	v11 =	vor.u32 $0x180, v11;
	s5 =	sor.u32 $0x180, s16;
	s16 =	sor.u32 $0x100, s14;
	v23 =	vld.idx.msk [tilespmem:v8+s25+$0x0], $0xffff;
	[tilespmem:s10+$0x0] =	vst v27  }
0x60: {  	v18 =	vor.u32 $0x80, v7;
	[tilespmem:s16+$0x8800] =	vst v16;
	v16 =	vld.idx.msk [tilespmem:v21+s25+$0x0], $0xffff  }
0x61: {  	s26 =	simm.s32 $0x21C0;
	s24 =	simm.s32 $0x870;
	v14 =	vor.u32 $0x180, v14;
	v25 =	vld.idx.msk [tilespmem:v9+s25+$0x0], $0xffff  }
0x62: {  	s18 =	sand.u32 $0x70, s24;
	s19 =	sand.u32 $0x3E00, s26;
	[tilespmem:s11+$0x0] =	vst v15;
	v22 =	vld.idx.msk [tilespmem:v24+s25+$0x0], $0xffff  }
0x63: {  	s4 =	sor.u32 s18, s19;
	v15 =	vor.u32 $0x80, v4;
	[tilespmem:s6+$0xA900] =	vst v20;
	v26 =	vld.idx.msk [tilespmem:v10+s25+$0x0], $0xffff  }
0x64: {  	s22 =	simm.s32 $0x2140;
	s21 =	simm.s32 $0x850;
	v0 =	vor.u32 $0x180, v0;
	v11 =	vld.idx.msk [tilespmem:v11+s25+$0x0], $0xffff;
	[tilespmem:s4+$0x8800] =	vst v17  }
0x65: {  	s24 =	sand.u32 $0x50, s21;
	s18 =	sand.u32 $0x3E00, s22;
	[tilespmem:s5+$0x8800] =	vst v19;
	v18 =	vld.idx.msk [tilespmem:v18+s25+$0x0], $0xffff  }
0x66: {  	s19 =	sor.u32 s17, s13;
	s29 =	sor.u32 s24, s18;
	s18 =	simm.s32 $0x80;
	v21 =	vor.u32 $0x80, v6;
	v14 =	vld.idx.msk [tilespmem:v14+s25+$0x0], $0xffff  }
0x67: {  	v19 =	vor.u32 $0x80, v5;
	[tilespmem:s19+$0xA800] =	vst v23;
	v23 =	vld [tilespmem:s18+$0x0]  }
0x68: {  	v12 =	vor.u32 $0x180, v12;
	[tilespmem:s2+$0x8900] =	vst v16;
	v15 =	vld.idx.msk [tilespmem:v15+s25+$0x0], $0xffff  }
0x69: {  	v17 =	vor.u32 $0x80, v3;
	[tilespmem:s29+$0x8800] =	vst v25;
	v16 =	vld.idx.msk [tilespmem:v0+s25+$0x0], $0xffff  }
0x6a: {  	s20 =	simm.s32 $0x2180;
	s26 =	simm.s32 $0x860;
	v25 =	vld [tilespmem:s18+$0x10];
	[tilespmem:s9+$0x80] =	vst v18  }
0x6b: {  	s17 =	sand.u32 $0x60, s26;
	s16 =	sand.u32 $0x3E00, s20;
	v18 =	vld.idx.msk [tilespmem:v21+s25+$0x0], $0xffff  }
0x6c: {  	s5 =	sor.u32 s17, s16;
	[tilespmem:s1+$0x8900] =	vst v22;
	v0 =	vor.u32 $0x100, v7;
	v19 =	vld.idx.msk [tilespmem:v19+s25+$0x0], $0xffff  }
0x6d: {  	[tilespmem:s5+$0x8800] =	vst v26;
	v12 =	vld.idx.msk [tilespmem:v12+s25+$0x0], $0xffff  }
0x6e: {  	v17 =	vld.idx.msk [tilespmem:v17+s25+$0x0], $0xffff  }
0x6f: {  	v20 =	vor.u32 $0x80, v8;
	v26 =	vld [tilespmem:s18+$0x20];
	[tilespmem:s8+$0x80] =	vst v15  }
0x70: {  	s20 =	sshll.u32 s15, $0xC;
	v22 =	vor.u32 $0x80, v9;
	v21 =	vld [tilespmem:s18+$0x30];
	[tilespmem:s4+$0x8880] =	vst v18  }
0x71: {  	v24 =	vor.u32 $0x80, v10;
	v18 =	vld.idx.msk [tilespmem:v0+s25+$0x0], $0xffff;
	[dreg:$0x18] =	wrdreg s20  }
0x72: {  	v1 =	vor.u32 $0x180, v1;
	[tilespmem:s10+$0x80] =	vst v19  }
0x73: {  	s7 =	sor.u32 $0x180, s7;
	v2 =	vor.u32 $0x180, v2;
	[tilespmem:s11+$0x80] =	vst v17  }
0x74: {  	s31 =	simm.s32 $0x4;
	s24 =	sor.u32 $0x180, s12;
	v19 =	vld.idx.msk [tilespmem:v20+s25+$0x0], $0xffff;
	[tilespmem:s7+$0x8800] =	vst v11  }
0x75: {  	s21 =	sand.u32 $0x7, s31;
	p1 =	por !p1, !p1;
	s22 =	sor.u32 $0x180, s14;
	v13 =	vor.u32 $0x180, v13;
	v0 =	vshll.u32 v21, $0x2;
	[tilespmem:s24+$0x8800] =	vst v16;
	v20 =	vld.idx.msk [tilespmem:v22+s25+$0x0], $0xffff  }
0x76: {  	s3 =	sadd.s32 $0x20A0, s3;
	s12 =	simm.s32 $0x200;
	s1 =	sshll.u32 s21, $0x4;
	v15 =	vand.u32 $0x7F, v21;
	v0 =	vand.u32 $0x3FE00, v0;
	v17 =	vor.u32 $0x100, v6;
	[tilespmem:s22+$0x8800] =	vst v12;
	v11 =	vld.idx.msk [tilespmem:v24+s25+$0x0], $0xffff  }
0x77: {  	s23 =	simm.s32 $0x2;
	s26 =	sadd.s32 $0x100, s1;
	v16 =	vshll.u32 v25, $0x2;
	v22 =	vor.u32 $0x100, v4;
	v0 =	vor.u32 v15, v0;
	v27 =	vld.idx.msk [tilespmem:v1+s25+$0x0], $0xffff;
	s11 =	rddreg [dreg:$0x11]  }
0x78: {  	s1 =	sadd.s32 $0x30, s26;
	v24 =	vor.u32 $0x100, v5;
	v15 =	vshll.u32 v23, $0x2;
	v12 =	vand.u32 $0x3FE00, v16;
	v28 =	vld.idx.msk [tilespmem:v2+s25+$0x0], $0xffff;
	[dreg:$0x17] =	wrdreg s15;
	s11 =	sadd.s32 s11, s15  }
0x79: {  	s16 =	sor.u32 $0x100, s3;
	s13 =	sor.u32 $0x100, s1;
	v16 =	vand.u32 $0x7F, v25;
	v1 =	vand.u32 $0x3FE00, v15;
	v15 =	vand.u32 $0x7F, v23;
	[dreg:$0x19] =	wrdreg s11  }
0x7a: {  	s3 =	sand.u32 $0x1E00, s12;
	s17 =	simm.s32 $0x1;
	s7 =	simm.s32 $0x1;
	v2 =	vshll.u32 v26, $0x2;
	v16 =	vor.u32 v16, v12;
	v15 =	vor.u32 v15, v1;
	[tilespmem:s13+$0x8800] =	vst v18;
	v1 =	vld.idx.msk [tilespmem:v13+s25+$0x0], $0xffff  }
0x7b: {  	s21 =	simm.s32 $0xB0;
	s1 =	sor.u32 $0x180, s1;
	s7 =	simm.s32 @!p1 $0x0;
	v2 =	vand.u32 $0x3FE00, v2;
	v12 =	vand.u32 $0x7F, v26;
	[tilespmem:s0+$0x8980] =	vst v14;
	v13 =	vld.idx.msk [tilespmem:v17+s25+$0x0], $0xffff  }
0x7c: {  	s20 =	simm.s32 $0x4;
	s10 =	sand.u32 $0x3, s23;
	s7 =	sshll.u32 s7, $0x6;
	v14 =	vshrl.u32 v21, $0xE;
	v17 =	vor.u32 v12, v2;
	[tilespmem:s19+$0xA880] =	vst v19;
	v2 =	vshrl.u32 v21, $0x10;
	v12 =	vld.idx.msk [tilespmem:v0+s25+$0x0], $0xffff  }
0x7d: {  	v7 =	vor.u32 $0x180, v7;
	s22 =	sand.u32 $0x3, s20;
	s10 =	sshll.u32 s10, $0x5;
	s7 =	sadd.s32 $0x100, s7;
	v14 =	vand.u32 $0x3FE00, v14;
	[tilespmem:s29+$0x8880] =	vst v20;
	v2 =	vand.u32 $0x7F, v2;
	v18 =	vld.idx.msk [tilespmem:v22+s25+$0x0], $0xffff  }
0x7e: {  	s23 =	simm.s32 $0x80;
	s14 =	sadd.s32 $0x100, s10;
	s15 =	sor.u32 $0x100, s7;
	v19 =	vor.u32 $0x100, v3;
	v21 =	vshrl.u32 v23, $0xE;
	[tilespmem:s5+$0x8880] =	vst v11;
	v2 =	vor.u32 v2, v14;
	v11 =	vld.idx.msk [tilespmem:v24+s25+$0x0], $0xffff  }
0x7f: {  	s30 =	sor.u32 $0x180, s7;
	s7 =	smov.u32 s19;
	s19 =	sadd.s32 $0x20A0, s14;
	v22 =	vshrl.u32 v25, $0x10;
	[tilespmem:s6+$0xA980] =	vst v27;
	v14 =	vshrl.u32 v23, $0x10;
	v24 =	vshrl.u32 v25, $0xE;
	v25 =	vld.idx.msk [tilespmem:v16+s25+$0x0], $0xffff  }
0x80: {  	s18 =	sadd.s32 $0x20, s14;
	s14 =	sadd.s32 $0x8800, s3;
	v20 =	vor.u32 $0x100, v8;
	v21 =	vand.u32 $0x3FE00, v21;
	s6 =	sand.u32 $0x70, s21;
	[tilespmem:s2+$0x8980] =	vst v28;
	v23 =	vld.idx.msk [tilespmem:v15+s25+$0x0], $0xffff;
	v14 =	vand.u32 $0x7F, v14  }
0x81: {  	p1 =	por !p1, !p1;
	s10 =	sadd.s32 $0x10, s26;
	v22 =	vand.u32 $0x7F, v22;
	s0 =	sor.u32 s6, s14;
	v24 =	vand.u32 $0x3FE00, v24;
	v28 =	vor.u32 v14, v21;
	v14 =	vld.idx.msk [tilespmem:v17+s25+$0x0], $0xffff;
	[tilespmem:s4+$0x8900] =	vst v13  }
0x82: {  	s17 =	simm.s32 @!p1 $0x0;
	s26 =	simm.s32 $0x90;
	s9 =	sor.u32 $0x100, s10;
	v21 =	vshrl.u32 v26, $0xE;
	v29 =	vor.u32 v22, v24;
	v13 =	vshrl.u32 v26, $0x10;
	[tilespmem:s0+$0x0] =	vst v12;
	v7 =	vld.idx.msk [tilespmem:v7+s25+$0x0], $0xffff  }
0x83: {  	v6 =	vor.u32 $0x180, v6;
	s8 =	sor.u32 $0x100, s18;
	s24 =	sor.u32 $0x180, s18;
	s18 =	sand.u32 $0x40, s23;
	v12 =	vand.u32 $0x7F, v13;
	v13 =	vand.u32 $0x3FE00, v21;
	[tilespmem:s15+$0x8800] =	vst v18;
	v21 =	vld.idx.msk [tilespmem:v2+s25+$0x0], $0xffff  }
0x84: {  	s11 =	sshll.u32 s22, $0x5;
	s13 =	sand.u32 $0x50, s26;
	s20 =	sor.u32 s18, s14;
	v30 =	vor.u32 v12, v13;
	[tilespmem:s9+$0x8800] =	vst v11;
	v11 =	vld.idx.msk [tilespmem:v19+s25+$0x0], $0xffff  }
0x85: {  	s23 =	simm.s32 $0x8B0;
	s13 =	sor.u32 s13, s14;
	s15 =	simm.s32 $0xA0;
	v31 =	vld.idx.msk [tilespmem:v20+s25+$0x0], $0xffff;
	v13 =	vor.u32 $0x100, v9;
	[tilespmem:s20+$0x0] =	vst v23  }
0x86: {  	s28 =	sor.u32 $0x100, s19;
	s21 =	simm.s32 $0x22C0;
	v12 =	vor.u32 $0x80, v0;
	s19 =	sand.u32 $0x60, s15;
	[tilespmem:s13+$0x0] =	vst v25;
	v19 =	vld.idx.msk [tilespmem:v28+s25+$0x0], $0xffff  }
0x87: {  	s22 =	sand.u32 $0x70, s23;
	s6 =	sand.u32 $0x3E00, s21;
	v22 =	vor.u32 $0x100, v10;
	s14 =	sor.u32 s19, s14;
	v25 =	vld.idx.msk [tilespmem:v29+s25+$0x0], $0xffff;
	[tilespmem:s1+$0x8800] =	vst v7  }
0x88: {  	v32 =	vor.u32 $0x180, v4;
	p1 =	por !p1, !p1;
	s26 =	simm.s32 $0x2240;
	s6 =	sor.u32 s22, s6;
	[tilespmem:s14+$0x0] =	vst v14;
	v27 =	vld.idx.msk [tilespmem:v6+s25+$0x0], $0xffff  }
0x89: {  	v4 =	vor.u32 $0x180, v10;
	v33 =	vor.u32 $0x80, v16;
	s2 =	sor.u32 s18, s3;
	s21 =	sadd.s32 $0x200, s11;
	v26 =	vor.u32 $0x80, v15;
	s9 =	sand.u32 $0x3E00, s26;
	v34 =	vld.idx.msk [tilespmem:v30+s25+$0x0], $0xffff;
	[tilespmem:s6+$0x8800] =	vst v21  }
0x8a: {  	v35 =	vor.u32 $0x80, v17;
	v10 =	vor.u32 $0x100, v28;
	v18 =	vor.u32 $0x80, v28;
	s15 =	simm.s32 $0x890;
	s26 =	simm.s32 $0x8A0;
	s19 =	simm.s32 $0x2280;
	[tilespmem:s8+$0x8800] =	vst v11;
	v24 =	vld.idx.msk [tilespmem:v13+s25+$0x0], $0xffff  }
0x8b: {  	s22 =	sand.u32 $0x50, s15;
	v20 =	vor.u32 $0x80, v30;
	s15 =	sadd.s32 $0x20, s21;
	s21 =	sadd.s32 $0x20A0, s21;
	v14 =	vor.u32 $0x100, v16;
	v7 =	vor.u32 $0x180, v3;
	[tilespmem:s7+$0xA900] =	vst v31;
	v36 =	vld.idx.msk [tilespmem:v12+s25+$0x0], $0xffff  }
0x8c: {  	s3 =	sand.u32 $0x3E00, s19;
	s1 =	sshll.u32 s17, $0x6;
	v3 =	vor.u32 $0x180, v9;
	s17 =	sor.u32 s22, s9;
	v9 =	vor.u32 $0x100, v30;
	v6 =	vor.u32 $0x180, v5;
	v23 =	vld.idx.msk [tilespmem:v22+s25+$0x0], $0xffff;
	[tilespmem:s2+$0xA800] =	vst v19  }
0x8d: {  	s19 =	sor.u32 $0x180, s15;
	s22 =	sor.u32 $0x100, s15;
	v5 =	vor.u32 $0x180, v8;
	v13 =	vor.u32 $0x100, v15;
	s8 =	sand.u32 $0x60, s26;
	v11 =	vor.u32 $0x100, v29;
	[tilespmem:s17+$0x8800] =	vst v25;
	v25 =	vld.idx.msk [tilespmem:v32+s25+$0x0], $0xffff  }
0x8e: {  	s9 =	sor.u32 $0x100, s21;
	s1 =	sadd.s32 $0x200, s1;
	v8 =	vor.u32 $0x180, v15;
	v21 =	vor.u32 $0x180, v17;
	v15 =	vor.u32 $0x180, v30;
	s18 =	sor.u32 s8, s3;
	v26 =	vld.idx.msk [tilespmem:v26+s25+$0x0], $0xffff;
	[tilespmem:s4+$0x8980] =	vst v27  }
0x8f: {  	s21 =	simm.s32 $0x6;
	s11 =	sor.u32 $0x100, s1;
	s26 =	sor.u32 $0x180, s1;
	v12 =	vor.u32 $0x100, v17;
	v22 =	vor.u32 $0x180, v16;
	v17 =	vor.u32 $0x180, v28;
	v27 =	vld.idx.msk [tilespmem:v33+s25+$0x0], $0xffff;
	[tilespmem:s18+$0x8800] =	vst v34  }
0x90: {  	s8 =	sor.u32 $0x180, s10;
	s10 =	simm.s32 $0x8;
	v16 =	vor.u32 $0x180, v29;
	v19 =	vor.u32 $0x80, v29;
	v29 =	vor.u32 $0x80, v2;
	s4 =	simm.s32 $0x200;
	v28 =	vld.idx.msk [tilespmem:v35+s25+$0x0], $0xffff;
	[tilespmem:s0+$0x80] =	vst v36  }
.LBB2_3:
0x91: {  	_ =	sdelay $0x3  }
0x92: {  	v29 =	vld.idx.msk [tilespmem:v29+s25+$0x0], $0xffff;
	[tilespmem:s29+$0x8900] =	vst v24  }
0x93: {  	s12 =	sadd.s32 $0x100, s12;
	[tilespmem:s5+$0x8900] =	vst v23;
	v24 =	vld.idx.msk [tilespmem:v6+s25+$0x0], $0xffff  }
0x94: {  	s3 =	sshra.s32 s12, $0x2;
	v23 =	vld.idx.msk [tilespmem:v7+s25+$0x0], $0xffff  }
0x95: {  	s0 =	sand.u32 $0x3, s21;
	s1 =	simm.s32 $0x1;
	[tilespmem:s20+$0x80] =	vst v26;
	v7 =	vmov v21;
	v21 =	vld [tilespmem:s3+$0x30]  }
0x96: {  	s15 =	simm.s32 $0x800;
	s31 =	sadd.s32 $0x4, s31;
	s5 =	sadd.s32 $0x2040, s12;
	v6 =	vmov v22;
	v22 =	vor.u32 $0x100, v0;
	[tilespmem:s13+$0x80] =	vst v27;
	v26 =	vld [tilespmem:s3+$0x0]  }
0x97: {  	s0 =	sshll.u32 s0, $0x5;
	s25 =	sand.u32 $0x3E00, s5;
	s5 =	sadd.s32 $0x2080, s12;
	[tilespmem:s14+$0x80] =	vst v28;
	v27 =	vld [tilespmem:s3+$0x10]  }
0x98: {  	s1 =	simm.s32 @!p1 $0x0;
	s20 =	sadd.s32 s12, s0;
	s5 =	sand.u32 $0x3E00, s5;
	[tilespmem:s30+$0x8800] =	vst v25;
	v25 =	vld [tilespmem:s3+$0x20]  }
0x99: {  	s1 =	sshll.u32 s1, $0x6;
	[dreg:$0xb] =	wrdreg s5;
	s5 =	sadd.s32 $0x20, s20;
	v18 =	vld.idx.msk [tilespmem:v18+s15+$0x0], $0xffff  }
0x9a: {  	s1 =	sadd.s32 s1, s12;
	s14 =	sadd.s32 $0x20A0, s20;
	[tilespmem:s6+$0x8880] =	vst v29;
	v30 =	vld.idx.msk [tilespmem:v5+s15+$0x0], $0xffff;
	s20 =	sor.u32 $0x100, s5  }
0x9b: {  	s0 =	sor.u32 $0x100, s1;
	[dreg:$0x6] =	wrdreg s20;
	s20 =	sand.u32 $0x7, s31;
	v22 =	vld.idx.msk [tilespmem:v22+s15+$0x0], $0xffff;
	[tilespmem:s8+$0x8800] =	vst v24;
	v24 =	vshll.u32 v21, $0x2  }
0x9c: {  	s1 =	sor.u32 $0x180, s1;
	v28 =	vor.u32 $0x100, v2;
	s3 =	sor.u32 $0x100, s14;
	[tilespmem:s24+$0x8800] =	vst v23;
	v23 =	vand.u32 $0x7F, v21;
	s8 =	sshll.u32 s20, $0x4;
	v24 =	vand.u32 $0x3FE00, v24;
	v19 =	vld.idx.msk [tilespmem:v19+s15+$0x0], $0xffff  }
0x9d: {  	s14 =	smov.u32 s26;
	s26 =	smov.u32 s1;
	[tilespmem:s16+$0x8800] =	vst v1;
	v1 =	vshll.u32 v26, $0x2;
	s1 =	sadd.s32 s8, s4;
	v32 =	vld.idx.msk [tilespmem:v3+s15+$0x0], $0xffff;
	v23 =	vor.u32 v23, v24  }
0x9e: {  	v5 =	vmovc v17;
	[dreg:$0xa] =	wrdreg s14;
	v29 =	vshll.u32 v27, $0x2;
	v17 =	vand.u32 $0x7F, v26;
	v20 =	vld.idx.msk [tilespmem:v20+s15+$0x0], $0xffff;
	v1 =	vand.u32 $0x3FE00, v1;
	s14 =	sadd.s32 $0x10, s1;
	s1 =	sadd.s32 $0x30, s1  }
0x9f: {  	v31 =	vand.u32 $0x7F, v27;
	v3 =	vmovc v16;
	v24 =	vand.u32 $0x3FE00, v29;
	[tilespmem:s2+$0xA880] =	vst v18;
	s16 =	sor.u32 $0x100, s1;
	v16 =	vor.u32 v17, v1;
	v1 =	vld.idx.msk [tilespmem:v4+s15+$0x0], $0xffff  }
0xa0: {  	s23 =	sadd.s32 $0x40, s23;
	s13 =	smov.u32 s9;
	v29 =	vshll.u32 v25, $0x2;
	v17 =	vor.u32 v31, v24;
	v13 =	vld.idx.msk [tilespmem:v13+s15+$0x0], $0xffff;
	[tilespmem:s16+$0x8800] =	vst v22  }
0xa1: {  	s30 =	smov.u32 s19;
	[dreg:$0x9] =	wrdreg s13;
	s5 =	sor.u32 $0x180, s5;
	v29 =	vand.u32 $0x3FE00, v29;
	v24 =	vand.u32 $0x7F, v25;
	v18 =	vld.idx.msk [tilespmem:v28+s15+$0x0], $0xffff  }
0xa2: {  	s9 =	smov.u32 s3;
	s19 =	smov.u32 s5;
	s20 =	sadd.s32 $0xFFFFF800, s23;
	v24 =	vor.u32 v24, v29;
	v22 =	vshrl.u32 v26, $0x10;
	[tilespmem:s17+$0x8880] =	vst v19;
	v29 =	vld.idx.msk [tilespmem:v23+s15+$0x0], $0xffff  }
0xa3: {  	s5 =	smov.u32 s18;
	s18 =	sand.u32 $0x1E00, s12;
	s13 =	sand.u32 $0x70, s20;
	[tilespmem:s7+$0xA980] =	vst v30;
	v26 =	vshrl.u32 v26, $0xE;
	v28 =	vshrl.u32 v21, $0x10;
	v21 =	vshrl.u32 v21, $0xE;
	v14 =	vld.idx.msk [tilespmem:v14+s15+$0x0], $0xffff  }
0xa4: {  	s3 =	sor.u32 $0x100, s14;
	s8 =	sor.u32 $0x180, s14;
	s14 =	sadd.s32 $0x8800, s18;
	v19 =	vand.u32 $0x7F, v28;
	v21 =	vand.u32 $0x3FE00, v21;
	[tilespmem:s5+$0x8880] =	vst v20;
	v20 =	vor.u32 $0x180, v0;
	v28 =	vld.idx.msk [tilespmem:v16+s15+$0x0], $0xffff  }
0xa5: {  	s24 =	smov.u32 s28;
	s7 =	sadd.s32 $0xFFFFF7E0, s23;
	s28 =	sor.u32 s13, s14;
	v21 =	vor.u32 v19, v21;
	v19 =	vand.u32 $0x7F, v22;
	v22 =	vand.u32 $0x3FE00, v26;
	v26 =	vld.idx.msk [tilespmem:v17+s15+$0x0], $0xffff;
	[tilespmem:s29+$0x8980] =	vst v32  }
0xa6: {  	v4 =	vmovc v15;
	v15 =	vshrl.u32 v27, $0x10;
	s7 =	sand.u32 $0x50, s7;
	s16 =	smov.u32 s2;
	s2 =	sadd.s32 $0xFFFFF7D0, s23;
	v0 =	vmov v23;
	v23 =	vshrl.u32 v27, $0xE;
	[tilespmem:s11+$0x8800] =	vst v13  }
0xa7: {  	v15 =	vand.u32 $0x7F, v15;
	s13 =	sor.u32 s7, s14;
	s7 =	sadd.s32 $0xFFFFFFE0, s23;
	s2 =	sand.u32 $0x40, s2;
	v23 =	vand.u32 $0x3FE00, v23;
	v34 =	vld.idx.msk [tilespmem:v12+s15+$0x0], $0xffff;
	v30 =	vor.u32 v19, v22;
	[tilespmem:s6+$0x8900] =	vst v18  }
0xa8: {  	s1 =	sor.u32 $0x180, s1;
	s7 =	sand.u32 $0x50, s7;
	v27 =	vshrl.u32 v25, $0x10;
	v25 =	vshrl.u32 v25, $0xE;
	s20 =	sor.u32 s2, s14;
	v15 =	vor.u32 v15, v23;
	v23 =	vld.idx.msk [tilespmem:v24+s15+$0x0], $0xffff;
	[tilespmem:s28+$0x0] =	vst v29  }
0xa9: {  	s2 =	sor.u32 s2, s18;
	s18 =	sadd.s32 $0xFFFFFFF0, s23;
	v27 =	vand.u32 $0x7F, v27;
	s29 =	sadd.s32 $0xFFFFF7F0, s23;
	v19 =	vand.u32 $0x3FE00, v25;
	[tilespmem:s3+$0x8800] =	vst v14;
	v29 =	vld.idx.msk [tilespmem:v20+s15+$0x0], $0xffff  }
0xaa: {  	s11 =	smov.u32 s0;
	v27 =	vor.u32 v27, v19;
	s3 =	sor.u32 s7, s25;
	s25 =	simm.s32 $0x800;
	v33 =	vld.idx.msk [tilespmem:v21+s15+$0x0], $0xffff;
	[tilespmem:s20+$0x0] =	vst v28  }
0xab: {  	v35 =	vor.u32 $0x180, v2;
	s29 =	sand.u32 $0x60, s29;
	s15 =	sand.u32 $0x60, s18;
	s18 =	rddreg [dreg:$0xb];
	v36 =	vld.idx.msk [tilespmem:v10+s25+$0x0], $0xffff  }
0xac: {  	v31 =	vor.u32 $0x80, v17;
	s14 =	sor.u32 s29, s14;
	v28 =	vor.u32 $0x80, v0;
	[tilespmem:s13+$0x0] =	vst v26;
	v37 =	vld.idx.msk [tilespmem:v30+s25+$0x0], $0xffff;
	s18 =	sor.u32 s15, s18;
	s15 =	sadd.s32 $0x20C0, s12  }
0xad: {  	v62 =	vor.u32 $0x80, v24;
	v12 =	vor.u32 $0x100, v24;
	v25 =	vor.u32 $0x80, v16;
	s29 =	smov.u32 s17;
	s17 =	sand.u32 $0x70, s23;
	v40 =	vld.idx.msk [tilespmem:v15+s25+$0x0], $0xffff;
	[tilespmem:s14+$0x0] =	vst v23;
	s0 =	sand.u32 $0x3E00, s15  }
0xae: {  	v2 =	vmovc v21;
	v22 =	vor.u32 $0x180, v17;
	v18 =	vor.u32 $0x80, v30;
	v21 =	vor.u32 $0x180, v24;
	v24 =	vld.idx.msk [tilespmem:v11+s25+$0x0], $0xffff;
	s0 =	sor.u32 s17, s0;
	[tilespmem:s1+$0x8800] =	vst v29  }
0xaf: {  	v14 =	vor.u32 $0x100, v17;
	v17 =	vor.u32 $0x180, v30;
	v10 =	vor.u32 $0x100, v30;
	v30 =	vld.idx.msk [tilespmem:v27+s25+$0x0], $0xffff;
	[tilespmem:s0+$0x8800] =	vst v33  }
0xb0: {  	s10 =	sadd.s32 $0x4, s10;
	s7 =	smov.u32 s16;
	[tilespmem:s22+$0x8800] =	vst v34;
	v33 =	vld.idx.msk [tilespmem:v35+s25+$0x0], $0xffff  }
0xb1: {  	p2 =	slt.u32 s10, $0x7C;
	v39 =	vor.u32 $0x180, v16;
	v13 =	vor.u32 $0x100, v16;
	s17 =	smov.u32 s3;
	[tilespmem:s7+$0xA900] =	vst v36;
	v63 =	vld.idx.msk [tilespmem:v28+s25+$0x0], $0xffff  }
.Ltmp2:
0xb2: {  	v19 =	vor.u32 $0x80, v15;
	v16 =	vor.u32 $0x180, v15;
	v38 =	vor.u32 $0x100, v27;
	v23 =	vld.idx.msk [tilespmem:v9+s25+$0x0], $0xffff;
	[tilespmem:s17+$0x8800] =	vst v40;
	(pc) =	sbr.rel @p2 .LBB2_3-.Ltmp2, $4  }
0xb3: {  	s21 =	sadd.s32 $0x2, s21;
	v20 =	vor.u32 $0x80, v27;
	v26 =	vor.u32 $0x100, v15;
	v15 =	vor.u32 $0x180, v27;
	[tilespmem:s2+$0xA800] =	vst v37;
	v27 =	vld.idx.msk [tilespmem:v31+s25+$0x0], $0xffff  }
0xb4: {  	s16 =	smov.u32 s24;
	s24 =	smov.u32 s30;
	s30 =	rddreg [dreg:$0xa];
	v11 =	vmov v26;
	[tilespmem:s18+$0x8800] =	vst v30;
	v26 =	vld.idx.msk [tilespmem:v25+s25+$0x0], $0xffff  }
0xb5: {  	p1 =	por !p1, !p1;
	s4 =	smov.u32 s12;
	s15 =	rddreg [dreg:$0x6];
	v28 =	vld.idx.msk [tilespmem:v62+s25+$0x0], $0xffff;
	[tilespmem:s6+$0x8980] =	vst v33  }
0xb6: {  	s22 =	smov.u32 s15;
	v9 =	vmov v38;
	v29 =	vor.u32 $0x80, v2;
	v25 =	vld.idx.msk [tilespmem:v8+s25+$0x0], $0xffff;
	v8 =	vmov v39;
	s6 =	smov.u32 s0;
	[tilespmem:s28+$0x80] =	vst v63;
	s28 =	rddreg [dreg:$0x9]  }
0xb7: {  	_ =	sdelay $0x3  }
0xb8: {  	v29 =	vld.idx.msk [tilespmem:v29+s25+$0x0], $0xffff;
	[tilespmem:s13+$0x80] =	vst v27  }
0xb9: {  	v49 =	vor.u32 $0x100, v0;
	[tilespmem:s20+$0x80] =	vst v26;
	v19 =	vld.idx.msk [tilespmem:v19+s25+$0x0], $0xffff  }
0xba: {  	v18 =	vld.idx.msk [tilespmem:v18+s25+$0x0], $0xffff;
	[tilespmem:s14+$0x80] =	vst v28  }
0xbb: {  	v20 =	vld.idx.msk [tilespmem:v20+s25+$0x0], $0xffff  }
0xbc: {  	[tilespmem:s29+$0x8900] =	vst v24  }
0xbd: {  	s0 =	sadd.s32 $0x4, s31;
	[tilespmem:s6+$0x8880] =	vst v29  }
0xbe: {  	s0 =	sand.u32 $0x7, s0;
	v50 =	vld.idx.msk [tilespmem:v49+s25+$0x0], $0xffff;
	[tilespmem:s17+$0x8880] =	vst v19  }
0xbf: {  	v51 =	vor.u32 $0x100, v2;
	s0 =	sshll.u32 s0, $0x4;
	[tilespmem:s2+$0xA880] =	vst v18;
	v14 =	vld.idx.msk [tilespmem:v14+s25+$0x0], $0xffff  }
0xc0: {  	s0 =	sadd.s32 s0, s4;
	v13 =	vld.idx.msk [tilespmem:v13+s25+$0x0], $0xffff;
	[tilespmem:s18+$0x8880] =	vst v20  }
0xc1: {  	[tilespmem:s5+$0x8900] =	vst v23;
	s1 =	sadd.s32 $0x30, s0;
	v12 =	vld.idx.msk [tilespmem:v12+s25+$0x0], $0xffff  }
0xc2: {  	[tilespmem:s16+$0x8800] =	vst v1;
	s0 =	sadd.s32 $0x10, s0;
	s3 =	sor.u32 $0x100, s1  }
0xc3: {  	v6 =	vld.idx.msk [tilespmem:v6+s25+$0x0], $0xffff;
	s23 =	sor.u32 $0x100, s0;
	[tilespmem:s3+$0x8800] =	vst v50  }
0xc4: {  	v52 =	vld.idx.msk [tilespmem:v51+s25+$0x0], $0xffff;
	[tilespmem:s23+$0x8800] =	vst v14  }
0xc5: {  	v53 =	vor.u32 $0x180, v0;
	[tilespmem:s11+$0x8800] =	vst v13;
	v11 =	vld.idx.msk [tilespmem:v11+s25+$0x0], $0xffff  }
0xc6: {  	v10 =	vld.idx.msk [tilespmem:v10+s25+$0x0], $0xffff;
	[tilespmem:s22+$0x8800] =	vst v12  }
0xc7: {  	[tilespmem:s30+$0x8800] =	vst v25;
	v54 =	vld.idx.msk [tilespmem:v9+s25+$0x0], $0xffff  }
0xc8: {  	v7 =	vld.idx.msk [tilespmem:v7+s25+$0x0], $0xffff;
	[tilespmem:s8+$0x8800] =	vst v6  }
0xc9: {  	v5 =	vld.idx.msk [tilespmem:v5+s25+$0x0], $0xffff;
	[tilespmem:s6+$0x8900] =	vst v52  }
0xca: {  	v0 =	vld.idx.msk [tilespmem:v53+s25+$0x0], $0xffff;
	[tilespmem:s17+$0x8900] =	vst v11  }
0xcb: {  	v55 =	vor.u32 $0x180, v2;
	[tilespmem:s2+$0xA900] =	vst v10;
	v57 =	vld.idx.msk [tilespmem:v22+s25+$0x0], $0xffff  }
0xcc: {  	v56 =	vld.idx.msk [tilespmem:v8+s25+$0x0], $0xffff;
	[tilespmem:s18+$0x8900] =	vst v54  }
0xcd: {  	[tilespmem:s24+$0x8800] =	vst v7;
	v58 =	vld.idx.msk [tilespmem:v21+s25+$0x0], $0xffff  }
0xce: {  	s1 =	sor.u32 $0x180, s1;
	v59 =	vld.idx.msk [tilespmem:v3+s25+$0x0], $0xffff;
	[tilespmem:s7+$0xA980] =	vst v5  }
0xcf: {  	s0 =	sor.u32 $0x180, s0;
	v60 =	vld.idx.msk [tilespmem:v4+s25+$0x0], $0xffff;
	[tilespmem:s1+$0x8800] =	vst v0  }
0xd0: {  	v2 =	vld.idx.msk [tilespmem:v55+s25+$0x0], $0xffff;
	[tilespmem:s0+$0x8800] =	vst v57  }
0xd1: {  	[tilespmem:s26+$0x8800] =	vst v56;
	v62 =	vld.idx.msk [tilespmem:v16+s25+$0x0], $0xffff  }
0xd2: {  	v61 =	vld.idx.msk [tilespmem:v17+s25+$0x0], $0xffff;
	[tilespmem:s19+$0x8800] =	vst v58  }
0xd3: {  	[tilespmem:s29+$0x8980] =	vst v59;
	v63 =	vld.idx.msk [tilespmem:v15+s25+$0x0], $0xffff  }
0xd4: {  	[tilespmem:s28+$0x8800] =	vst v60  }
0xd5: {  	[tilespmem:s6+$0x8980] =	vst v2  }
0xd6: {  	[tilespmem:s17+$0x8980] =	vst v62  }
0xd7: {  	[tilespmem:s2+$0xA980] =	vst v61  }
0xd8: {  	s0 =	rddreg [dreg:$0x19];
	[tilespmem:s9+$0x8800] =	vst v63  }
0xd9: {  	s31 =	rddreg [dreg:$0x17]  }
0xda: {  	p1 =	sne.s32 s31, $0x3F  }
.Ltmp3:
0xdb: {  	_ = 	snop;
	(pc) =	sbr.rel @p1 .LBB2_6-.Ltmp3, $4  }
0xdc: {  	_ = 	snop  }
0xdd: {  	s30 =	simm.s32 $0x8800;
	s29 =	rddreg [dreg:$0x2];
	s0 =	sshll.u32 s0, $0xC  }
0xde: {  	s3 =	simm.s32 $0x200;
	s1 =	simm.s32 $0x400;
	s0 =	sadd.s32 s29, s0  }
0xdf: {  	[hbm4b:s0+s3] =	stream.strided.scatter [tilespmem:s30], [sflag:$0x3], $0x4000, s1, s3, $0x38;
	[tilespmem:$0x10800] =	vst v63  }
.Ltmp4:
0xe0: {  	(pc) =	sbr.rel .LBB2_7-.Ltmp4, $4  }
0xe1: {  	s0 =	simm.s32 $0x2  }
0xe2: {  	_ =	swait.ge [sflag:s0], $0x4000  }
0xe3: {  	[sflag:s0] =	ssyncset.done $0x0  }
0xe4: {  	s16 =	simm.s32 $0x4800;
	[sflag:s0] =	ssyncadd.s32 $0xFFFFC000  }
.LBB2_6:
0xe5: {  	s0 =	rddreg [dreg:$0x12]  }
0xe6: {  	s2 =	rddreg [dreg:$0x18]  }
.Ltmp5:
0xe7: {  	s31 =	simm.s32 $0x2;
	s0 =	sadd.s32 s2, s0;
	(pc) =	sbr.rel @p0 .LBB2_8-.Ltmp5, $4  }
0xe8: {  	[tilespmem:s25], [sflag:$0x1] =	stream.strided.gather [hbm4b:s0+s3], $0x4000, s1, s3, $0x38;
	[tilespmem:$0x10800] =	vst v63  }
0xe9: {  	_ =	swait.ge [sflag:s31], $0x4000  }
0xea: {  	[sflag:s31] =	ssyncset.done $0x0  }
0xeb: {  	s16 =	simm.s32 $0x4800;
	[sflag:s31] =	ssyncadd.s32 $0xFFFFC000  }
.LBB2_7:
0xec: {  	s0 =	simm.s32 $0x4  }
0xed: {  	_ =	swait.ge [sflag:s0], $0x4000  }
0xee: {  	[sflag:s0] =	ssyncset.done $0x0  }
0xef: {  	[sflag:s0] =	ssyncadd.s32 $0xFFFFC000  }
.LBB2_8:
0xf0: {  	s0 =	simm.s32 $0x0  }
0xf1: {  	v0 =	vld [tilespmem:s0+$0x30];
	_ =	sdelay $0x2  }
0xf2: {  	v1 =	vld [tilespmem:s0+$0x0]  }
0xf3: {  	v2 =	vld [tilespmem:s0+$0x10]  }
0xf4: {  	v3 =	vshll.u32 v0, $0x2  }
0xf5: {  	v4 =	vand.u32 $0x7F, v0;
	v3 =	vand.u32 $0x3FE00, v3  }
0xf6: {  	v6 =	vor.u32 v4, v3;
	v3 =	vld [tilespmem:s0+$0x20]  }
0xf7: {  	v4 =	vshll.u32 v1, $0x2  }
0xf8: {  	v5 =	vshll.u32 v2, $0x2;
	v7 =	vand.u32 $0x7F, v1;
	v4 =	vand.u32 $0x3FE00, v4  }
0xf9: {  	v8 =	vand.u32 $0x7F, v2;
	v5 =	vand.u32 $0x3FE00, v5;
	v11 =	vor.u32 v7, v4  }
0xfa: {  	v4 =	vshrl.u32 v0, $0x10;
	v7 =	vshrl.u32 v0, $0xE;
	v0 =	vor.u32 v8, v5  }
0xfb: {  	v4 =	vand.u32 $0x7F, v4;
	v7 =	vand.u32 $0x3FE00, v7;
	v5 =	vld.idx.msk [tilespmem:v6+s16+$0x0], $0xffff;
	v8 =	vshll.u32 v3, $0x2  }
0xfc: {  	s3 =	simm.s32 $0x0;
	v14 =	vor.u32 v4, v7;
	v7 =	vand.u32 $0x7F, v3;
	v4 =	vand.u32 $0x3FE00, v8  }
0xfd: {  	s17 =	simm.s32 $0x30;
	s1 =	sand.u32 $0x1E00, s3;
	v12 =	vor.u32 v7, v4  }
0xfe: {  	s2 =	sadd.s32 $0xC800, s1;
	s0 =	sand.u32 $0x70, s17;
	v8 =	vshrl.u32 v1, $0x10;
	v4 =	vshrl.u32 v2, $0x10;
	v2 =	vshrl.u32 v2, $0xE  }
0xff: {  	s4 =	sor.u32 s0, s2;
	v1 =	vshrl.u32 v1, $0xE;
	v9 =	vld.idx.msk [tilespmem:v0+s16+$0x0], $0xffff;
	v4 =	vand.u32 $0x7F, v4;
	v2 =	vand.u32 $0x3FE00, v2  }
0x100: {  	v7 =	vld.idx.msk [tilespmem:v11+s16+$0x0], $0xffff;
	v8 =	vand.u32 $0x7F, v8;
	v1 =	vand.u32 $0x3FE00, v1;
	v2 =	vor.u32 v4, v2;
	[tilespmem:s4+$0x0] =	vst v5  }
0x101: {  	s18 =	simm.s32 $0x0;
	s6 =	simm.s32 $0x10;
	v1 =	vor.u32 v8, v1;
	v5 =	vshrl.u32 v3, $0x10;
	v3 =	vshrl.u32 v3, $0xE;
	v4 =	vld.idx.msk [tilespmem:v14+s16+$0x0], $0xffff  }
0x102: {  	s5 =	simm.s32 $0x830;
	s20 =	simm.s32 $0x20C0;
	s19 =	sand.u32 $0x50, s6;
	v8 =	vor.u32 $0x80, v6;
	v5 =	vand.u32 $0x7F, v5;
	v3 =	vand.u32 $0x3FE00, v3;
	v10 =	vld.idx.msk [tilespmem:v12+s16+$0x0], $0xffff  }
0x103: {  	s23 =	simm.s32 $0x20;
	s7 =	sand.u32 $0x40, s18;
	s9 =	sor.u32 s19, s2;
	v13 =	vor.u32 v5, v3  }
0x104: {  	s21 =	sand.u32 $0x70, s5;
	s22 =	sand.u32 $0x3E00, s20;
	s8 =	sor.u32 s7, s2;
	[tilespmem:s9+$0x0] =	vst v9  }
0x105: {  	s24 =	sand.u32 $0x60, s23;
	s0 =	sor.u32 s21, s22;
	[tilespmem:s8+$0x0] =	vst v7;
	v7 =	vld.idx.msk [tilespmem:v2+s16+$0x0], $0xffff  }
0x106: {  	s10 =	sor.u32 s24, s2;
	v3 =	vld.idx.msk [tilespmem:v1+s16+$0x0], $0xffff;
	[tilespmem:s0+$0xC800] =	vst v4;
	v4 =	vor.u32 $0x80, v0  }
0x107: {  	s25 =	simm.s32 $0x2040;
	s26 =	simm.s32 $0x810;
	s13 =	simm.s32 $0x40;
	v5 =	vor.u32 $0x80, v11;
	v8 =	vld.idx.msk [tilespmem:v8+s16+$0x0], $0xffff;
	[tilespmem:s10+$0x0] =	vst v10  }
0x108: {  	s6 =	sor.u32 s7, s1;
	s7 =	sand.u32 $0x50, s26;
	s2 =	sand.u32 $0x3E00, s25;
	v9 =	vor.u32 $0x80, v14;
	v10 =	vld.idx.msk [tilespmem:v13+s16+$0x0], $0xffff  }
0x109: {  	v17 =	vld [tilespmem:s13+$0x10];
	s2 =	sor.u32 s7, s2  }
0x10a: {  	s11 =	simm.s32 $0x2080;
	s12 =	simm.s32 $0x820;
	v18 =	vld [tilespmem:s13+$0x20];
	v15 =	vor.u32 $0x80, v12;
	[tilespmem:s2+$0xC800] =	vst v7  }
0x10b: {  	s5 =	sand.u32 $0x60, s12;
	s1 =	sand.u32 $0x3E00, s11;
	[tilespmem:s6+$0xE800] =	vst v3;
	v4 =	vld.idx.msk [tilespmem:v4+s16+$0x0], $0xffff  }
0x10c: {  	s1 =	sor.u32 s5, s1;
	v16 =	vor.u32 $0x80, v2;
	v3 =	vld.idx.msk [tilespmem:v5+s16+$0x0], $0xffff;
	[tilespmem:s4+$0x80] =	vst v8  }
0x10d: {  	v5 =	vld.idx.msk [tilespmem:v9+s16+$0x0], $0xffff;
	[tilespmem:s1+$0xC800] =	vst v10;
	v10 =	vor.u32 $0x80, v1  }
0x10e: {  	v7 =	vor.u32 $0x100, v6;
	v8 =	vld [tilespmem:s13+$0x30]  }
0x10f: {  	v9 =	vld.idx.msk [tilespmem:v15+s16+$0x0], $0xffff  }
0x110: {  	v15 =	vld [tilespmem:s13+$0x0];
	[tilespmem:s9+$0x80] =	vst v4  }
0x111: {  	[tilespmem:s8+$0x80] =	vst v3;
	v16 =	vld.idx.msk [tilespmem:v16+s16+$0x0], $0xffff  }
0x112: {  	[tilespmem:s0+$0xC880] =	vst v5;
	v5 =	vor.u32 $0x80, v13;
	v10 =	vld.idx.msk [tilespmem:v10+s16+$0x0], $0xffff  }
0x113: {  	v19 =	vor.u32 $0x100, v11;
	v22 =	vor.u32 $0x100, v0;
	v20 =	vld.idx.msk [tilespmem:v7+s16+$0x0], $0xffff;
	v7 =	vshll.u32 v8, $0x2  }
0x114: {  	s14 =	sand.u32 $0x7, s3;
	v21 =	vor.u32 $0x100, v14;
	v3 =	vand.u32 $0x7F, v8;
	v7 =	vand.u32 $0x3FE00, v7  }
0x115: {  	s4 =	sshll.u32 s14, $0x4;
	v4 =	vshll.u32 v17, $0x2;
	v7 =	vor.u32 v3, v7;
	v3 =	vshll.u32 v15, $0x2  }
0x116: {  	s4 =	sadd.s32 $0x0, s4;
	[tilespmem:s10+$0x80] =	vst v9;
	v9 =	vand.u32 $0x3FE00, v4;
	v4 =	vand.u32 $0x7F, v15;
	v3 =	vand.u32 $0x3FE00, v3  }
0x117: {  	v26 =	vand.u32 $0x7F, v17;
	s15 =	sadd.s32 $0x30, s4;
	[tilespmem:s2+$0xC880] =	vst v16;
	v25 =	vld.idx.msk [tilespmem:v5+s16+$0x0], $0xffff;
	v5 =	vshll.u32 v18, $0x2;
	v4 =	vor.u32 v4, v3  }
0x118: {  	s19 =	sor.u32 $0x100, s15;
	[tilespmem:s6+$0xE880] =	vst v10;
	v22 =	vld.idx.msk [tilespmem:v22+s16+$0x0], $0xffff;
	v3 =	vand.u32 $0x3FE00, v5;
	v5 =	vor.u32 v26, v9  }
0x119: {  	p0 =	por $0x0, $0x0;
	s20 =	simm.s32 $0x100;
	v23 =	vor.u32 $0x100, v12;
	v24 =	vor.u32 $0x100, v1;
	s8 =	simm.s32 $0x1;
	[tilespmem:s19+$0xC800] =	vst v20;
	v9 =	vand.u32 $0x7F, v18;
	v16 =	vld.idx.msk [tilespmem:v19+s16+$0x0], $0xffff  }
0x11a: {  	s21 =	simm.s32 $0x70;
	s13 =	sand.u32 $0x1E00, s20;
	s8 =	simm.s32 @!p0 $0x0;
	v19 =	vor.u32 $0x180, v6;
	v20 =	vld.idx.msk [tilespmem:v21+s16+$0x0], $0xffff;
	v3 =	vor.u32 v9, v3;
	v9 =	vshrl.u32 v8, $0x10  }
0x11b: {  	s7 =	sand.u32 $0x70, s21;
	s11 =	sadd.s32 $0xC800, s13;
	s8 =	sshll.u32 s8, $0x6;
	v8 =	vshrl.u32 v8, $0xE;
	v21 =	vshrl.u32 v15, $0x10;
	v15 =	vshrl.u32 v15, $0xE;
	v10 =	vld.idx.msk [tilespmem:v7+s16+$0x0], $0xffff  }
0x11c: {  	s12 =	simm.s32 $0x50;
	s9 =	sor.u32 s7, s11;
	s7 =	sadd.s32 $0x0, s8;
	v9 =	vand.u32 $0x7F, v9;
	v8 =	vand.u32 $0x3FE00, v8;
	v21 =	vand.u32 $0x7F, v21;
	v26 =	vld.idx.msk [tilespmem:v4+s16+$0x0], $0xffff  }
0x11d: {  	s12 =	sand.u32 $0x50, s12;
	s23 =	sor.u32 $0x100, s7;
	v15 =	vand.u32 $0x3FE00, v15;
	v6 =	vor.u32 v9, v8;
	v8 =	vshrl.u32 v17, $0x10;
	[tilespmem:s1+$0xC880] =	vst v25;
	v27 =	vld.idx.msk [tilespmem:v5+s16+$0x0], $0xffff  }
0x11e: {  	s10 =	sor.u32 s12, s11;
	s12 =	sadd.s32 $0x10, s4;
	v9 =	vshrl.u32 v17, $0xE;
	v28 =	vand.u32 $0x7F, v8;
	v8 =	vor.u32 v21, v15;
	[tilespmem:s23+$0xC800] =	vst v16;
	v16 =	vld.idx.msk [tilespmem:v23+s16+$0x0], $0xffff  }
0x11f: {  	s3 =	sand.u32 $0x3, s3;
	s22 =	simm.s32 $0x40;
	v9 =	vand.u32 $0x3FE00, v9;
	v21 =	vor.u32 $0x100, v2;
	s23 =	sor.u32 $0x100, s12;
	v15 =	vld.idx.msk [tilespmem:v3+s16+$0x0], $0xffff;
	[tilespmem:s0+$0xC900] =	vst v20  }
0x120: {  	s3 =	sshll.u32 s3, $0x5;
	s17 =	sand.u32 $0x40, s22;
	s14 =	simm.s32 $0x60;
	v17 =	vshrl.u32 v18, $0x10;
	v18 =	vshrl.u32 v18, $0xE;
	v9 =	vor.u32 v28, v9;
	v20 =	vld.idx.msk [tilespmem:v24+s16+$0x0], $0xffff;
	[tilespmem:s23+$0xC800] =	vst v22  }
0x121: {  	s3 =	sadd.s32 $0x0, s3;
	s14 =	sand.u32 $0x60, s14;
	s8 =	sor.u32 s17, s11;
	v17 =	vand.u32 $0x7F, v17;
	v18 =	vand.u32 $0x3FE00, v18;
	v24 =	vor.u32 $0x100, v13;
	[tilespmem:s9+$0x0] =	vst v10;
	v19 =	vld.idx.msk [tilespmem:v19+s16+$0x0], $0xffff  }
0x122: {  	s11 =	sor.u32 s14, s11;
	s14 =	sadd.s32 $0x20, s3;
	v10 =	vor.u32 v17, v18;
	v17 =	vld.idx.msk [tilespmem:v6+s16+$0x0], $0xffff;
	[tilespmem:s8+$0x0] =	vst v26  }
0x123: {  	v11 =	vor.u32 $0x180, v11;
	s26 =	sor.u32 $0x100, s14;
	v23 =	vld.idx.msk [tilespmem:v8+s16+$0x0], $0xffff;
	[tilespmem:s10+$0x0] =	vst v27  }
0x124: {  	v14 =	vor.u32 $0x180, v14;
	[tilespmem:s26+$0xC800] =	vst v16;
	v16 =	vld.idx.msk [tilespmem:v21+s16+$0x0], $0xffff  }
0x125: {  	v18 =	vor.u32 $0x80, v7;
	v25 =	vld.idx.msk [tilespmem:v9+s16+$0x0], $0xffff  }
0x126: {  	s24 =	simm.s32 $0x870;
	s25 =	simm.s32 $0x21C0;
	[tilespmem:s11+$0x0] =	vst v15;
	v22 =	vld.idx.msk [tilespmem:v24+s16+$0x0], $0xffff  }
0x127: {  	s18 =	sand.u32 $0x70, s24;
	s5 =	sor.u32 $0x180, s15;
	s19 =	sand.u32 $0x3E00, s25;
	v15 =	vor.u32 $0x80, v4;
	[tilespmem:s6+$0xE900] =	vst v20;
	v26 =	vld.idx.msk [tilespmem:v10+s16+$0x0], $0xffff  }
0x128: {  	s22 =	simm.s32 $0x2140;
	s21 =	simm.s32 $0x850;
	v0 =	vor.u32 $0x180, v0;
	s4 =	sor.u32 s18, s19;
	[tilespmem:s5+$0xC800] =	vst v19;
	v11 =	vld.idx.msk [tilespmem:v11+s16+$0x0], $0xffff  }
0x129: {  	s24 =	sand.u32 $0x50, s21;
	s18 =	sand.u32 $0x3E00, s22;
	[tilespmem:s4+$0xC800] =	vst v17;
	v14 =	vld.idx.msk [tilespmem:v14+s16+$0x0], $0xffff  }
0x12a: {  	s15 =	sor.u32 s17, s13;
	s29 =	sor.u32 s24, s18;
	s18 =	simm.s32 $0x80;
	v19 =	vor.u32 $0x80, v5;
	v18 =	vld.idx.msk [tilespmem:v18+s16+$0x0], $0xffff  }
0x12b: {  	v21 =	vor.u32 $0x80, v6;
	[tilespmem:s15+$0xE800] =	vst v23;
	v23 =	vld [tilespmem:s18+$0x0]  }
0x12c: {  	[tilespmem:s2+$0xC900] =	vst v16;
	v15 =	vld.idx.msk [tilespmem:v15+s16+$0x0], $0xffff  }
0x12d: {  	v17 =	vor.u32 $0x80, v3;
	v16 =	vld.idx.msk [tilespmem:v0+s16+$0x0], $0xffff  }
0x12e: {  	v12 =	vor.u32 $0x180, v12;
	s20 =	simm.s32 $0x2180;
	s25 =	simm.s32 $0x860;
	[tilespmem:s29+$0xC800] =	vst v25;
	v25 =	vld [tilespmem:s18+$0x10]  }
0x12f: {  	s17 =	sand.u32 $0x60, s25;
	s26 =	sand.u32 $0x3E00, s20;
	v19 =	vld.idx.msk [tilespmem:v19+s16+$0x0], $0xffff;
	[tilespmem:s9+$0x80] =	vst v18  }
0x130: {  	v1 =	vor.u32 $0x180, v1;
	s5 =	sor.u32 s17, s26;
	[tilespmem:s1+$0xC900] =	vst v22;
	v18 =	vld.idx.msk [tilespmem:v21+s16+$0x0], $0xffff  }
0x131: {  	s7 =	sor.u32 $0x180, s7;
	v0 =	vor.u32 $0x100, v7;
	[tilespmem:s5+$0xC800] =	vst v26;
	v21 =	vld [tilespmem:s18+$0x30]  }
0x132: {  	v20 =	vor.u32 $0x80, v8;
	[tilespmem:s7+$0xC800] =	vst v11;
	v17 =	vld.idx.msk [tilespmem:v17+s16+$0x0], $0xffff  }
0x133: {  	s22 =	sor.u32 $0x180, s12;
	v2 =	vor.u32 $0x180, v2;
	v12 =	vld.idx.msk [tilespmem:v12+s16+$0x0], $0xffff;
	[tilespmem:s8+$0x80] =	vst v15  }
0x134: {  	v22 =	vor.u32 $0x80, v9;
	v26 =	vld [tilespmem:s18+$0x20];
	[tilespmem:s22+$0xC800] =	vst v16  }
0x135: {  	s30 =	simm.s32 $0x4;
	v24 =	vor.u32 $0x80, v10;
	v29 =	vld.idx.msk [tilespmem:v1+s16+$0x0], $0xffff;
	[tilespmem:s4+$0xC880] =	vst v18  }
0x136: {  	s19 =	sand.u32 $0x7, s30;
	v13 =	vor.u32 $0x180, v13;
	[tilespmem:s10+$0x80] =	vst v19;
	v18 =	vld.idx.msk [tilespmem:v0+s16+$0x0], $0xffff;
	v0 =	vshll.u32 v21, $0x2  }
0x137: {  	p0 =	por !p0, !p0;
	s1 =	sshll.u32 s19, $0x4;
	v19 =	vld.idx.msk [tilespmem:v20+s16+$0x0], $0xffff;
	[tilespmem:s11+$0x80] =	vst v17;
	v17 =	vor.u32 $0x100, v6;
	v15 =	vand.u32 $0x7F, v21;
	v0 =	vand.u32 $0x3FE00, v0  }
0x138: {  	s20 =	sor.u32 $0x180, s14;
	s23 =	sadd.s32 $0x100, s1;
	s7 =	simm.s32 $0x1;
	v16 =	vshll.u32 v25, $0x2;
	v30 =	vld.idx.msk [tilespmem:v2+s16+$0x0], $0xffff;
	v0 =	vor.u32 v15, v0  }
0x139: {  	s21 =	simm.s32 $0x2;
	v27 =	vor.u32 $0x100, v4;
	s1 =	sadd.s32 $0x30, s23;
	s7 =	simm.s32 @!p0 $0x0;
	[tilespmem:s20+$0xC800] =	vst v12;
	v12 =	vand.u32 $0x3FE00, v16;
	v20 =	vld.idx.msk [tilespmem:v22+s16+$0x0], $0xffff;
	v15 =	vshll.u32 v23, $0x2  }
0x13a: {  	[tilespmem:s0+$0xC980] =	vst v14;
	s24 =	sor.u32 $0x100, s1;
	s7 =	sshll.u32 s7, $0x6;
	s10 =	sand.u32 $0x3, s21;
	v2 =	vshll.u32 v26, $0x2;
	v11 =	vld.idx.msk [tilespmem:v24+s16+$0x0], $0xffff;
	v1 =	vand.u32 $0x3FE00, v15;
	v15 =	vand.u32 $0x7F, v23  }
0x13b: {  	s7 =	sadd.s32 $0x100, s7;
	v16 =	vand.u32 $0x7F, v25;
	v22 =	vor.u32 $0x100, v5;
	s10 =	sshll.u32 s10, $0x5;
	v15 =	vor.u32 v15, v1;
	v1 =	vld.idx.msk [tilespmem:v13+s16+$0x0], $0xffff;
	[tilespmem:s24+$0xC800] =	vst v18  }
0x13c: {  	s13 =	sor.u32 $0x180, s7;
	v2 =	vand.u32 $0x3FE00, v2;
	v16 =	vor.u32 v16, v12;
	v12 =	vand.u32 $0x7F, v26;
	s25 =	sadd.s32 $0x100, s10;
	[tilespmem:s15+$0xE880] =	vst v19;
	v13 =	vld.idx.msk [tilespmem:v17+s16+$0x0], $0xffff  }
0x13d: {  	v28 =	vor.u32 $0x100, v3;
	s12 =	sadd.s32 $0x20, s25;
	v17 =	vor.u32 v12, v2;
	v12 =	vld.idx.msk [tilespmem:v0+s16+$0x0], $0xffff;
	[dreg:$0x5] =	wrdreg s13  }
0x13e: {  	s31 =	simm.s32 $0x8;
	s3 =	sadd.s32 $0x20A0, s3;
	v7 =	vor.u32 $0x180, v7;
	v14 =	vshrl.u32 v21, $0xE;
	s0 =	sor.u32 $0x180, s12;
	v2 =	vshrl.u32 v21, $0x10;
	[tilespmem:s29+$0xC880] =	vst v20  }
0x13f: {  	s28 =	sor.u32 $0x100, s3;
	s17 =	simm.s32 $0x4;
	v14 =	vand.u32 $0x3FE00, v14;
	v19 =	vshrl.u32 v23, $0x10;
	v2 =	vand.u32 $0x7F, v2;
	v18 =	vld.idx.msk [tilespmem:v27+s16+$0x0], $0xffff;
	[dreg:$0x4] =	wrdreg s0  }
0x140: {  	p0 =	por !p0, !p0;
	v24 =	vor.u32 $0x100, v8;
	s8 =	sor.u32 $0x100, s12;
	s12 =	simm.s32 $0x200;
	v19 =	vand.u32 $0x7F, v19;
	v2 =	vor.u32 v2, v14;
	[tilespmem:s5+$0xC880] =	vst v11;
	v11 =	vld.idx.msk [tilespmem:v22+s16+$0x0], $0xffff  }
0x141: {  	s1 =	sor.u32 $0x180, s1;
	s18 =	simm.s32 $0xB0;
	s3 =	sand.u32 $0x1E00, s12;
	v21 =	vshrl.u32 v25, $0xE;
	v20 =	vshrl.u32 v23, $0xE;
	v14 =	vshrl.u32 v25, $0x10;
	[tilespmem:s6+$0xE980] =	vst v29;
	v23 =	vld.idx.msk [tilespmem:v15+s16+$0x0], $0xffff  }
0x142: {  	s26 =	sor.u32 $0x100, s7;
	s19 =	sadd.s32 $0xC800, s3;
	v25 =	vshrl.u32 v26, $0xE;
	v20 =	vand.u32 $0x3FE00, v20;
	v22 =	vshrl.u32 v26, $0x10;
	v26 =	vld.idx.msk [tilespmem:v16+s16+$0x0], $0xffff;
	s6 =	sand.u32 $0x70, s18;
	[tilespmem:s2+$0xC980] =	vst v30  }
0x143: {  	s22 =	simm.s32 $0x80;
	s21 =	sand.u32 $0x3, s17;
	v21 =	vand.u32 $0x3FE00, v21;
	v14 =	vand.u32 $0x7F, v14;
	v29 =	vor.u32 v19, v20;
	v19 =	vld.idx.msk [tilespmem:v17+s16+$0x0], $0xffff;
	s0 =	sor.u32 s6, s19;
	[tilespmem:s4+$0xC900] =	vst v13  }
0x144: {  	s17 =	simm.s32 $0x1;
	s10 =	sadd.s32 $0x10, s23;
	s23 =	simm.s32 $0x90;
	v30 =	vor.u32 v14, v21;
	[tilespmem:s0+$0x0] =	vst v12;
	v7 =	vld.idx.msk [tilespmem:v7+s16+$0x0], $0xffff  }
0x145: {  	s14 =	sadd.s32 $0x20A0, s25;
	s9 =	sor.u32 $0x100, s10;
	v14 =	vand.u32 $0x3FE00, v25;
	s18 =	sand.u32 $0x40, s22;
	v21 =	vor.u32 $0x100, v9;
	v13 =	vand.u32 $0x7F, v22;
	v12 =	vld.idx.msk [tilespmem:v2+s16+$0x0], $0xffff;
	[tilespmem:s26+$0xC800] =	vst v18  }
0x146: {  	s25 =	sand.u32 $0x50, s23;
	s24 =	simm.s32 $0xA0;
	s20 =	sor.u32 s18, s19;
	v25 =	vor.u32 v13, v14;
	v20 =	vld.idx.msk [tilespmem:v24+s16+$0x0], $0xffff;
	[tilespmem:s9+$0xC800] =	vst v11  }
0x147: {  	s11 =	simm.s32 $0x22C0;
	s13 =	sor.u32 s25, s19;
	s6 =	sand.u32 $0x60, s24;
	v13 =	vor.u32 $0x180, v6;
	v11 =	vld.idx.msk [tilespmem:v28+s16+$0x0], $0xffff;
	[tilespmem:s20+$0x0] =	vst v23  }
0x148: {  	s2 =	simm.s32 $0x8B0;
	v14 =	vor.u32 $0x80, v0;
	s26 =	sshll.u32 s21, $0x5;
	s21 =	sor.u32 s6, s19;
	[tilespmem:s13+$0x0] =	vst v26;
	v22 =	vld.idx.msk [tilespmem:v29+s16+$0x0], $0xffff  }
0x149: {  	v31 =	vor.u32 $0x180, v4;
	s7 =	sor.u32 $0x100, s14;
	s14 =	sand.u32 $0x70, s2;
	s6 =	sand.u32 $0x3E00, s11;
	v27 =	vld.idx.msk [tilespmem:v30+s16+$0x0], $0xffff;
	[tilespmem:s21+$0x0] =	vst v19  }
0x14a: {  	s17 =	simm.s32 @!p0 $0x0;
	s22 =	simm.s32 $0x2240;
	s6 =	sor.u32 s14, s6;
	v23 =	vor.u32 $0x100, v10;
	v24 =	vld.idx.msk [tilespmem:v21+s16+$0x0], $0xffff;
	[tilespmem:s1+$0xC800] =	vst v7  }
0x14b: {  	v4 =	vor.u32 $0x180, v10;
	v32 =	vor.u32 $0x80, v16;
	s25 =	simm.s32 $0x2280;
	s23 =	sand.u32 $0x3E00, s22;
	s24 =	sor.u32 s18, s3;
	v26 =	vor.u32 $0x80, v15;
	v28 =	vld.idx.msk [tilespmem:v25+s16+$0x0], $0xffff;
	[tilespmem:s6+$0xC800] =	vst v12  }
0x14c: {  	v6 =	vor.u32 $0x180, v5;
	v5 =	vor.u32 $0x180, v8;
	v8 =	vor.u32 $0x180, v15;
	s19 =	sshll.u32 s17, $0x6;
	s9 =	sadd.s32 $0x200, s26;
	s26 =	simm.s32 $0x890;
	v33 =	vld.idx.msk [tilespmem:v13+s16+$0x0], $0xffff;
	[tilespmem:s15+$0xE900] =	vst v20  }
0x14d: {  	v34 =	vor.u32 $0x80, v17;
	v18 =	vor.u32 $0x80, v29;
	s14 =	sadd.s32 $0x200, s19;
	s19 =	simm.s32 $0x8A0;
	v10 =	vor.u32 $0x100, v25;
	s18 =	sand.u32 $0x50, s26;
	v35 =	vld.idx.msk [tilespmem:v14+s16+$0x0], $0xffff;
	[tilespmem:s8+$0xC800] =	vst v11  }
0x14e: {  	s22 =	sand.u32 $0x3E00, s25;
	s17 =	sor.u32 s18, s23;
	s23 =	sand.u32 $0x60, s19;
	v13 =	vor.u32 $0x100, v15;
	v15 =	vor.u32 $0x180, v25;
	v20 =	vor.u32 $0x80, v25;
	v25 =	vld.idx.msk [tilespmem:v31+s16+$0x0], $0xffff;
	[tilespmem:s24+$0xE800] =	vst v22  }
0x14f: {  	p0 =	por !p0, !p0;
	s11 =	sor.u32 $0x100, s14;
	v19 =	vor.u32 $0x80, v30;
	v21 =	vor.u32 $0x180, v17;
	v7 =	vor.u32 $0x180, v3;
	s18 =	sor.u32 s23, s22;
	v23 =	vld.idx.msk [tilespmem:v23+s16+$0x0], $0xffff;
	[tilespmem:s17+$0xC800] =	vst v27  }
0x150: {  	s25 =	sadd.s32 $0x20, s9;
	s26 =	sadd.s32 $0x20A0, s9;
	v3 =	vor.u32 $0x180, v9;
	v9 =	vor.u32 $0x100, v29;
	s19 =	sor.u32 $0x180, s14;
	v12 =	vor.u32 $0x100, v17;
	v26 =	vld.idx.msk [tilespmem:v26+s16+$0x0], $0xffff;
	[tilespmem:s18+$0xC800] =	vst v28  }
0x151: {  	s26 =	sor.u32 $0x100, s26;
	s22 =	sor.u32 $0x100, s25;
	s23 =	sor.u32 $0x180, s25;
	v17 =	vor.u32 $0x180, v29;
	v29 =	vor.u32 $0x80, v2;
	v14 =	vor.u32 $0x100, v16;
	v27 =	vld.idx.msk [tilespmem:v32+s16+$0x0], $0xffff;
	[tilespmem:s4+$0xC980] =	vst v33  }
0x152: {  	v11 =	vor.u32 $0x100, v30;
	s8 =	sor.u32 $0x180, s10;
	s10 =	simm.s32 $0x6;
	v22 =	vor.u32 $0x180, v16;
	v16 =	vor.u32 $0x180, v30;
	v28 =	vld.idx.msk [tilespmem:v34+s16+$0x0], $0xffff;
	s4 =	simm.s32 $0x200;
	[tilespmem:s0+$0x80] =	vst v35  }
.LBB2_9:
0x153: {  	_ =	sdelay $0x3  }
0x154: {  	v29 =	vld.idx.msk [tilespmem:v29+s16+$0x0], $0xffff;
	[tilespmem:s29+$0xC900] =	vst v24  }
0x155: {  	s12 =	sadd.s32 $0x100, s12;
	[tilespmem:s5+$0xC900] =	vst v23;
	v24 =	vld.idx.msk [tilespmem:v6+s16+$0x0], $0xffff  }
0x156: {  	s3 =	sshra.s32 s12, $0x2;
	v23 =	vld.idx.msk [tilespmem:v7+s16+$0x0], $0xffff  }
0x157: {  	s0 =	sand.u32 $0x3, s10;
	s1 =	simm.s32 $0x1;
	[tilespmem:s20+$0x80] =	vst v26;
	v7 =	vmov v21;
	v21 =	vld [tilespmem:s3+$0x30]  }
0x158: {  	s30 =	sadd.s32 $0x4, s30;
	s1 =	simm.s32 @!p0 $0x0;
	s9 =	sadd.s32 $0x2040, s12;
	v6 =	vmov v22;
	v22 =	vor.u32 $0x100, v0;
	[tilespmem:s13+$0x80] =	vst v27;
	v26 =	vld [tilespmem:s3+$0x0]  }
0x159: {  	s14 =	sadd.s32 $0x2080, s12;
	s25 =	sand.u32 $0x3E00, s9;
	s9 =	rddreg [dreg:$0x5];
	[tilespmem:s21+$0x80] =	vst v28;
	v27 =	vld [tilespmem:s3+$0x10]  }
0x15a: {  	s0 =	sshll.u32 s0, $0x5;
	s1 =	sshll.u32 s1, $0x6;
	s5 =	sand.u32 $0x3E00, s14;
	[tilespmem:s9+$0xC800] =	vst v25;
	v25 =	vld [tilespmem:s3+$0x20]  }
0x15b: {  	s1 =	sadd.s32 s1, s12;
	s20 =	sadd.s32 s12, s0;
	[dreg:$0xc] =	wrdreg s5;
	v18 =	vld.idx.msk [tilespmem:v18+s16+$0x0], $0xffff  }
0x15c: {  	s14 =	sor.u32 $0x100, s1;
	s13 =	sand.u32 $0x7, s30;
	s5 =	sadd.s32 $0x20, s20;
	[tilespmem:s6+$0xC880] =	vst v29;
	v30 =	vld.idx.msk [tilespmem:v5+s16+$0x0], $0xffff  }
0x15d: {  	s9 =	smov.u32 s19;
	s19 =	rddreg [dreg:$0x4];
	s21 =	sor.u32 $0x100, s5;
	v22 =	vld.idx.msk [tilespmem:v22+s16+$0x0], $0xffff;
	[tilespmem:s8+$0xC800] =	vst v24;
	v24 =	vshll.u32 v21, $0x2  }
0x15e: {  	s1 =	sor.u32 $0x180, s1;
	v28 =	vor.u32 $0x100, v2;
	[dreg:$0x7] =	wrdreg s21;
	s21 =	sshll.u32 s13, $0x4;
	[tilespmem:s19+$0xC800] =	vst v23;
	v23 =	vand.u32 $0x7F, v21;
	v24 =	vand.u32 $0x3FE00, v24;
	v19 =	vld.idx.msk [tilespmem:v19+s16+$0x0], $0xffff  }
0x15f: {  	s19 =	smov.u32 s1;
	s1 =	sadd.s32 s21, s4;
	[tilespmem:s28+$0xC800] =	vst v1;
	v1 =	vshll.u32 v26, $0x2;
	v32 =	vld.idx.msk [tilespmem:v3+s16+$0x0], $0xffff;
	v23 =	vor.u32 v23, v24  }
0x160: {  	s2 =	sadd.s32 $0x40, s2;
	v5 =	vmovc v17;
	v29 =	vshll.u32 v27, $0x2;
	s8 =	sadd.s32 $0x10, s1;
	s1 =	sadd.s32 $0x30, s1;
	v17 =	vand.u32 $0x7F, v26;
	v20 =	vld.idx.msk [tilespmem:v20+s16+$0x0], $0xffff;
	v1 =	vand.u32 $0x3FE00, v1  }
0x161: {  	s0 =	smov.u32 s24;
	s20 =	sadd.s32 $0x20A0, s20;
	v31 =	vand.u32 $0x7F, v27;
	v3 =	vmovc v16;
	v24 =	vand.u32 $0x3FE00, v29;
	s13 =	sor.u32 $0x100, s1;
	[tilespmem:s24+$0xE880] =	vst v18;
	v16 =	vor.u32 v17, v1;
	v1 =	vld.idx.msk [tilespmem:v4+s16+$0x0], $0xffff  }
0x162: {  	s5 =	sor.u32 $0x180, s5;
	s3 =	sor.u32 $0x100, s20;
	[dreg:$0x5] =	wrdreg s9;
	v29 =	vshll.u32 v25, $0x2;
	v17 =	vor.u32 v31, v24;
	v13 =	vld.idx.msk [tilespmem:v13+s16+$0x0], $0xffff;
	[tilespmem:s13+$0xC800] =	vst v22  }
0x163: {  	s20 =	smov.u32 s23;
	s23 =	smov.u32 s5;
	s5 =	smov.u32 s7;
	v29 =	vand.u32 $0x3FE00, v29;
	v24 =	vand.u32 $0x7F, v25;
	v4 =	vmovc v15;
	v15 =	vshrl.u32 v27, $0x10;
	[tilespmem:s15+$0xE980] =	vst v30;
	v18 =	vld.idx.msk [tilespmem:v28+s16+$0x0], $0xffff  }
0x164: {  	s9 =	smov.u32 s26;
	[dreg:$0x8] =	wrdreg s5;
	s5 =	smov.u32 s18;
	v24 =	vor.u32 v24, v29;
	v28 =	vshrl.u32 v21, $0x10;
	v21 =	vshrl.u32 v21, $0xE;
	[tilespmem:s17+$0xC880] =	vst v19;
	v29 =	vld.idx.msk [tilespmem:v23+s16+$0x0], $0xffff  }
0x165: {  	[dreg:$0x4] =	wrdreg s20;
	s26 =	smov.u32 s3;
	s18 =	sand.u32 $0x1E00, s12;
	v19 =	vand.u32 $0x7F, v28;
	v21 =	vand.u32 $0x3FE00, v21;
	[tilespmem:s5+$0xC880] =	vst v20;
	v20 =	vor.u32 $0x180, v0;
	v14 =	vld.idx.msk [tilespmem:v14+s16+$0x0], $0xffff  }
0x166: {  	s7 =	sadd.s32 $0xFFFFF7E0, s2;
	s21 =	sadd.s32 $0xC800, s18;
	s24 =	sadd.s32 $0xFFFFF800, s2;
	v22 =	vshrl.u32 v26, $0x10;
	v26 =	vshrl.u32 v26, $0xE;
	v21 =	vor.u32 v19, v21;
	v28 =	vld.idx.msk [tilespmem:v16+s16+$0x0], $0xffff  }
0x167: {  	s3 =	sor.u32 $0x100, s8;
	s1 =	sor.u32 $0x180, s1;
	s20 =	sand.u32 $0x70, s24;
	v0 =	vmovc v23;
	v23 =	vshrl.u32 v27, $0xE;
	v19 =	vand.u32 $0x7F, v22;
	v22 =	vand.u32 $0x3FE00, v26;
	v26 =	vld.idx.msk [tilespmem:v17+s16+$0x0], $0xffff;
	[tilespmem:s29+$0xC980] =	vst v32  }
0x168: {  	s15 =	sadd.s32 $0xFFFFF7D0, s2;
	s24 =	sand.u32 $0x50, s7;
	v15 =	vand.u32 $0x7F, v15;
	s28 =	sor.u32 s20, s21;
	v23 =	vand.u32 $0x3FE00, v23;
	v34 =	vld.idx.msk [tilespmem:v12+s16+$0x0], $0xffff;
	v30 =	vor.u32 v19, v22;
	[tilespmem:s6+$0xC900] =	vst v18  }
0x169: {  	s13 =	sor.u32 s24, s21;
	v27 =	vshrl.u32 v25, $0x10;
	v25 =	vshrl.u32 v25, $0xE;
	s29 =	sand.u32 $0x40, s15;
	s15 =	sadd.s32 $0xFFFFF7F0, s2;
	v15 =	vor.u32 v15, v23;
	v23 =	vld.idx.msk [tilespmem:v24+s16+$0x0], $0xffff;
	[tilespmem:s28+$0x0] =	vst v29  }
0x16a: {  	v27 =	vand.u32 $0x7F, v27;
	[tilespmem:s11+$0xC800] =	vst v13;
	s11 =	smov.u32 s14;
	s14 =	sadd.s32 $0x20C0, s12;
	v19 =	vand.u32 $0x3FE00, v25;
	s20 =	sor.u32 s29, s21;
	v29 =	vld.idx.msk [tilespmem:v20+s16+$0x0], $0xffff  }
0x16b: {  	s7 =	sand.u32 $0x60, s15;
	s15 =	sadd.s32 $0xFFFFFFE0, s2;
	s24 =	sor.u32 s29, s18;
	v27 =	vor.u32 v27, v19;
	v33 =	vld.idx.msk [tilespmem:v21+s16+$0x0], $0xffff;
	[tilespmem:s20+$0x0] =	vst v28  }
0x16c: {  	v35 =	vor.u32 $0x180, v2;
	s29 =	smov.u32 s17;
	s17 =	sand.u32 $0x70, s2;
	s21 =	sor.u32 s7, s21;
	[tilespmem:s3+$0xC800] =	vst v14;
	v36 =	vld.idx.msk [tilespmem:v9+s16+$0x0], $0xffff  }
0x16d: {  	v31 =	vor.u32 $0x80, v17;
	s18 =	sand.u32 $0x50, s15;
	s15 =	smov.u32 s0;
	s0 =	sadd.s32 $0xFFFFFFF0, s2;
	v28 =	vor.u32 $0x80, v0;
	[tilespmem:s13+$0x0] =	vst v26;
	v37 =	vld.idx.msk [tilespmem:v30+s16+$0x0], $0xffff  }
0x16e: {  	v62 =	vor.u32 $0x80, v24;
	v12 =	vor.u32 $0x100, v24;
	v25 =	vor.u32 $0x80, v16;
	s3 =	sor.u32 s18, s25;
	s18 =	sand.u32 $0x60, s0;
	s0 =	sand.u32 $0x3E00, s14;
	v40 =	vld.idx.msk [tilespmem:v15+s16+$0x0], $0xffff;
	[tilespmem:s21+$0x0] =	vst v23  }
0x16f: {  	v2 =	vmovc v21;
	v22 =	vor.u32 $0x180, v17;
	v18 =	vor.u32 $0x80, v30;
	v21 =	vor.u32 $0x180, v24;
	s0 =	sor.u32 s17, s0;
	v24 =	vld.idx.msk [tilespmem:v11+s16+$0x0], $0xffff;
	[tilespmem:s1+$0xC800] =	vst v29  }
0x170: {  	v14 =	vor.u32 $0x100, v17;
	v17 =	vor.u32 $0x180, v30;
	v9 =	vor.u32 $0x100, v30;
	v30 =	vld.idx.msk [tilespmem:v27+s16+$0x0], $0xffff;
	[tilespmem:s0+$0xC800] =	vst v33  }
0x171: {  	s31 =	sadd.s32 $0x4, s31;
	[tilespmem:s22+$0xC800] =	vst v34;
	v33 =	vld.idx.msk [tilespmem:v35+s16+$0x0], $0xffff  }
0x172: {  	p1 =	slt.u32 s31, $0x7C;
	v39 =	vor.u32 $0x180, v16;
	v13 =	vor.u32 $0x100, v16;
	s17 =	smov.u32 s3;
	[tilespmem:s15+$0xE900] =	vst v36;
	v63 =	vld.idx.msk [tilespmem:v28+s16+$0x0], $0xffff  }
.Ltmp6:
0x173: {  	v19 =	vor.u32 $0x80, v15;
	v16 =	vor.u32 $0x180, v15;
	v38 =	vor.u32 $0x100, v27;
	s25 =	rddreg [dreg:$0xc];
	v23 =	vld.idx.msk [tilespmem:v10+s16+$0x0], $0xffff;
	[tilespmem:s17+$0xC800] =	vst v40;
	(pc) =	sbr.rel @p1 .LBB2_9-.Ltmp6, $4  }
0x174: {  	v20 =	vor.u32 $0x80, v27;
	v26 =	vor.u32 $0x100, v15;
	s18 =	sor.u32 s18, s25;
	v15 =	vor.u32 $0x180, v27;
	[tilespmem:s24+$0xE800] =	vst v37;
	v27 =	vld.idx.msk [tilespmem:v31+s16+$0x0], $0xffff  }
0x175: {  	s10 =	sadd.s32 $0x2, s10;
	p0 =	por !p0, !p0;
	s4 =	smov.u32 s12;
	v11 =	vmov v26;
	[tilespmem:s18+$0xC800] =	vst v30;
	v26 =	vld.idx.msk [tilespmem:v25+s16+$0x0], $0xffff  }
0x176: {  	s8 =	sor.u32 $0x180, s8;
	s7 =	smov.u32 s9;
	s25 =	rddreg [dreg:$0x7];
	v28 =	vld.idx.msk [tilespmem:v62+s16+$0x0], $0xffff;
	[tilespmem:s6+$0xC980] =	vst v33  }
0x177: {  	s22 =	smov.u32 s25;
	v10 =	vmov v38;
	v29 =	vor.u32 $0x80, v2;
	v25 =	vld.idx.msk [tilespmem:v8+s16+$0x0], $0xffff;
	v8 =	vmov v39;
	s6 =	smov.u32 s0;
	[tilespmem:s28+$0x80] =	vst v63;
	s28 =	rddreg [dreg:$0x8]  }
0x178: {  	_ =	sdelay $0x3  }
0x179: {  	v29 =	vld.idx.msk [tilespmem:v29+s16+$0x0], $0xffff  }
0x17a: {  	v49 =	vor.u32 $0x100, v0;
	[tilespmem:s13+$0x80] =	vst v27  }
0x17b: {  	[tilespmem:s20+$0x80] =	vst v26;
	v19 =	vld.idx.msk [tilespmem:v19+s16+$0x0], $0xffff  }
0x17c: {  	v18 =	vld.idx.msk [tilespmem:v18+s16+$0x0], $0xffff  }
0x17d: {  	[tilespmem:s21+$0x80] =	vst v28  }
0x17e: {  	s0 =	sadd.s32 $0x4, s30;
	v20 =	vld.idx.msk [tilespmem:v20+s16+$0x0], $0xffff;
	[tilespmem:s6+$0xC880] =	vst v29  }
0x17f: {  	[tilespmem:s29+$0xC900] =	vst v24;
	s0 =	sand.u32 $0x7, s0;
	v50 =	vld.idx.msk [tilespmem:v49+s16+$0x0], $0xffff  }
0x180: {  	v51 =	vor.u32 $0x100, v2;
	v6 =	vld.idx.msk [tilespmem:v6+s16+$0x0], $0xffff;
	s0 =	sshll.u32 s0, $0x4;
	[tilespmem:s17+$0xC880] =	vst v19  }
0x181: {  	s0 =	sadd.s32 s0, s4;
	[tilespmem:s24+$0xE880] =	vst v18;
	v14 =	vld.idx.msk [tilespmem:v14+s16+$0x0], $0xffff  }
0x182: {  	[tilespmem:s5+$0xC900] =	vst v23;
	s1 =	sadd.s32 $0x30, s0;
	v13 =	vld.idx.msk [tilespmem:v13+s16+$0x0], $0xffff  }
0x183: {  	s2 =	sor.u32 $0x100, s1;
	[tilespmem:s18+$0xC880] =	vst v20  }
0x184: {  	s0 =	sadd.s32 $0x10, s0;
	v12 =	vld.idx.msk [tilespmem:v12+s16+$0x0], $0xffff;
	[tilespmem:s2+$0xC800] =	vst v50  }
0x185: {  	s30 =	sor.u32 $0x100, s0;
	s2 =	rddreg [dreg:$0x5];
	v52 =	vld.idx.msk [tilespmem:v51+s16+$0x0], $0xffff;
	[tilespmem:s8+$0xC800] =	vst v6  }
0x186: {  	[tilespmem:s30+$0xC800] =	vst v14  }
0x187: {  	v53 =	vor.u32 $0x180, v0;
	[tilespmem:s11+$0xC800] =	vst v13;
	v11 =	vld.idx.msk [tilespmem:v11+s16+$0x0], $0xffff  }
0x188: {  	[tilespmem:s2+$0xC800] =	vst v25;
	v9 =	vld.idx.msk [tilespmem:v9+s16+$0x0], $0xffff  }
0x189: {  	v59 =	vld.idx.msk [tilespmem:v3+s16+$0x0], $0xffff;
	[tilespmem:s22+$0xC800] =	vst v12  }
0x18a: {  	v54 =	vld.idx.msk [tilespmem:v10+s16+$0x0], $0xffff;
	[tilespmem:s6+$0xC900] =	vst v52  }
0x18b: {  	v7 =	vld.idx.msk [tilespmem:v7+s16+$0x0], $0xffff;
	s2 =	rddreg [dreg:$0x4];
	[tilespmem:s28+$0xC800] =	vst v1  }
0x18c: {  	v0 =	vld.idx.msk [tilespmem:v53+s16+$0x0], $0xffff;
	[tilespmem:s17+$0xC900] =	vst v11  }
0x18d: {  	v55 =	vor.u32 $0x180, v2;
	[tilespmem:s24+$0xE900] =	vst v9;
	v57 =	vld.idx.msk [tilespmem:v22+s16+$0x0], $0xffff  }
0x18e: {  	[tilespmem:s29+$0xC980] =	vst v59;
	v56 =	vld.idx.msk [tilespmem:v8+s16+$0x0], $0xffff  }
0x18f: {  	v5 =	vld.idx.msk [tilespmem:v5+s16+$0x0], $0xffff;
	[tilespmem:s18+$0xC900] =	vst v54  }
0x190: {  	s1 =	sor.u32 $0x180, s1;
	[tilespmem:s2+$0xC800] =	vst v7;
	v58 =	vld.idx.msk [tilespmem:v21+s16+$0x0], $0xffff  }
0x191: {  	s0 =	sor.u32 $0x180, s0;
	v60 =	vld.idx.msk [tilespmem:v4+s16+$0x0], $0xffff;
	[tilespmem:s1+$0xC800] =	vst v0  }
0x192: {  	v2 =	vld.idx.msk [tilespmem:v55+s16+$0x0], $0xffff;
	[tilespmem:s0+$0xC800] =	vst v57  }
0x193: {  	[tilespmem:s19+$0xC800] =	vst v56;
	v62 =	vld.idx.msk [tilespmem:v16+s16+$0x0], $0xffff  }
0x194: {  	[tilespmem:s15+$0xE980] =	vst v5;
	v61 =	vld.idx.msk [tilespmem:v17+s16+$0x0], $0xffff  }
0x195: {  	[tilespmem:s23+$0xC800] =	vst v58  }
0x196: {  	[tilespmem:s7+$0xC800] =	vst v60;
	v63 =	vld.idx.msk [tilespmem:v15+s16+$0x0], $0xffff  }
0x197: {  	[tilespmem:s6+$0xC980] =	vst v2  }
0x198: {  	[tilespmem:s17+$0xC980] =	vst v62  }
0x199: {  	[tilespmem:s24+$0xE980] =	vst v61  }
0x19a: {  	s0 =	rddreg [dreg:$0xd]  }
0x19b: {  	s3 =	rddreg [dreg:$0x18];
	[tilespmem:s26+$0xC800] =	vst v63  }
0x19c: {  	s15 =	rddreg [dreg:$0x17]  }
0x19d: {  	p0 =	seq.s32 s15, $0x3F  }
.Ltmp7:
0x19e: {  	_ = 	snop;
	(pc) =	sbr.rel @p0 .LBB2_12-.Ltmp7, $4  }
0x19f: {  	_ = 	snop  }
0x1a0: {  	s31 =	simm.s32 $0xC800;
	s0 =	sor.u32 s3, s0;
	s1 =	rddreg [dreg:$0x13]  }
0x1a1: {  	s4 =	simm.s32 $0x200;
	s0 =	sadd.s32 s0, s1;
	s1 =	simm.s32 $0x400  }
0x1a2: {  	[hbm4b:s0+s4] =	stream.strided.scatter [tilespmem:s31], [sflag:$0x4], $0x4000, s1, s4, $0x38;
	[tilespmem:$0x10800] =	vst v63  }
.Ltmp8:
0x1a3: {  	(pc) =	sbr.rel .LBB2_2-.Ltmp8, $4  }
0x1a4: {  	_ = 	snop  }
0x1a5: {  	s0 =	rddreg [dreg:$0x14]  }
0x1a6: {  	s15 =	sadd.s32 $0x1, s15;
	s25 =	simm.s32 $0x800;
	s0 =	sadd.s32 s3, s0  }
0x1a7: {  	[tilespmem:s16], [sflag:$0x2] =	stream.strided.gather [hbm4b:s0+s4], $0x4000, s1, s4, $0x38;
	[tilespmem:$0x10800] =	vst v63  }
.LBB2_13:
0x1a8: {  	_ =	sfence.sel $0x180000  }
0x1a9: {  	[bflag:$0x0] =	sbarrier.arrive $0xFFFF  }
0x1aa: {  	_ =	strace $0x90000047  }
0x1ab: {  	s0 =	stileid.u32;
	[bflag:$0x2] =	sbarrier.arrive $0xFFFF  }
0x1ac: {  	p0 =	sne.s32 s0, $0x0;
	s0 =	rddreg [dreg:$0x3]  }
0x1ad: {  	s0 =	sadd.s32 @!p0 $0x100000, s0  }
0x1ae: {  	[sflag:s0] =	ssyncadd.tile.s32 @!p0 $0x1;
	_ =	shalt  }
.Lfunc_end2:
_tile_overlayer_lowered:
.L_overlay_start_2:
0x1af: {  	(tag) =	ssettag $0x2  }
0x1b0: {  	s0 =	rddreg [dreg:$0x0];
	s2 =	stileid.u32  }
0x1b1: {  	s1 =	rddreg [dreg:$0x1];
	p0 =	sne.s32 s2, $0x0  }
0x1b2: {  	s3 =	rddreg [dreg:$0x2];
	[bflag:$0x3] =	sbarrier.arrive $0xFFFF;
	s2 =	simm.s32 @!p0 $0x1C05  }
0x1b3: {  	[timem:s3], [sflag:s2] =	dma.local @!p0 [hbm:s0], s1  }
0x1b4: {  	s0 =	simm.s32 @!p0 $0x5  }
0x1b5: {  	_ =	swait.ge @!p0 [sflag:s0], s1  }
0x1b6: {  	s1 =	ssub.s32 @!p0 $0x0, s1;
	[sflag:s0] =	ssyncset.done @!p0 $0x0  }
0x1b7: {  	[sflag:s0] =	ssyncadd.s32 @!p0 s1  }
0x1b8: {  	[bflag:$0x3] =	sbarrier.arrive $0xFFFF  }
0x1b9: {  	_ =	shalt  }

</sc_bundles>
